<compile_context>
chip_gen: v7x
topology: tpu7x:2x2x1
jax: 0.10.2.dev20260603
libtpu: 0.0.44.dev20260713+nightly
codegen_flags: <defaults>
</compile_context>

<pallas_src>
import functools

import jax
import jax.numpy as jnp
from jax import lax
from jax.experimental import pallas as pl
from jax.experimental.pallas import tpu as pltpu
from jax.experimental.pallas import tpu_sc as plsc

_DIM = 1024
_ROWS = 8192
_NC, _NS, _L = 2, 16, 16
_NW = _NC * _NS
_ROWS_W = _ROWS // _NW
_CROWS = 8
_NCHUNK = _ROWS_W // _CROWS
_NBUF = 8
_NROUND = _NCHUNK // _NBUF
_SCALE = float(_DIM) ** -0.5

_mesh = plsc.VectorSubcoreMesh(
    core_axis_name="c", subcore_axis_name="s",
    num_cores=_NC, num_subcores=_NS)


@functools.partial(
    pl.kernel,
    out_type=jax.ShapeDtypeStruct((_ROWS, _DIM), jnp.float32),
    mesh=_mesh,
    scratch_types=[
        [pltpu.VMEM((_CROWS, _DIM), jnp.float32)] * _NBUF,
        [pltpu.SemaphoreType.DMA] * _NBUF,
        [pltpu.SemaphoreType.DMA] * _NBUF,
    ],
)
def _scaled_copy(emb_hbm, out_hbm, bufs, sems_in, sems_out):
    wid = lax.axis_index("s") * _NC + lax.axis_index("c")
    base = wid * _ROWS_W

    def in_copy(c, b):
        return pltpu.make_async_copy(
            emb_hbm.at[pl.ds(base + c * _CROWS, _CROWS), :], bufs[b],
            sems_in[b])

    def out_copy(c, b):
        return pltpu.make_async_copy(
            bufs[b], out_hbm.at[pl.ds(base + c * _CROWS, _CROWS), :],
            sems_out[b])

    for b in range(_NBUF):
        in_copy(b, b).start()

    @pl.loop(0, _NROUND)
    def _round(g):
        for b in range(_NBUF):
            c = g * _NBUF + b
            pb = (b - 1) % _NBUF
            pc = c - 1

            @pl.when(jnp.logical_and(pc >= 0, pc + _NBUF < _NCHUNK))
            def _refill():
                out_copy(pc, pb).wait()
                in_copy(pc + _NBUF, pb).start()

            in_copy(c, b).wait()

            @plsc.parallel_loop(0, _CROWS * (_DIM // _L), unroll=8)
            def _scale(i, _buf=bufs[b]):
                r = i // (_DIM // _L)
                s = pl.ds((i % (_DIM // _L)) * _L, _L)
                _buf[r, s] = _buf[r, s] * _SCALE

            out_copy(c, b).start()

    for b in range(_NBUF):
        out_copy(_NCHUNK - _NBUF + b, b).wait()


def kernel(x, emb):
    del x
    return _scaled_copy(emb)

# --- scband reference (transcript-rebuilt; emitter-appended) ---
"""Pipeline reference for scband-absolute-positional-embedding-12558484373747 (READ-ONLY COPY).

The authoritative reference and input builder live on the scoring server;
editing this copy changes nothing except your own understanding.
"""

import jax, jax.numpy as jnp
import numpy as np

DIM = 1024
MAX_SEQ_LEN = 8192

def setup_inputs(seed: int = 0) -> dict:
    key = jax.random.key(seed)
    k1, k2 = jax.random.split(key)
    x = jax.random.normal(k1, (4, 8192, DIM), dtype=jnp.float32)
    emb = jax.random.normal(k2, (MAX_SEQ_LEN, DIM), dtype=jnp.float32) * 0.02
    return {"x": x, "emb": emb}

def reference(x, emb):
    # AbsolutePositionalEmbedding.forward with pos=None, seq_start_pos=None
    seq_len = x.shape[1]
    scale = DIM ** (-0.5)
    pos = jnp.arange(seq_len)
    pos_emb = jnp.take(emb, pos, axis=0) * scale
    return pos_emb

if __name__ == "__main__":
    import jax
    _d = setup_inputs()
    print(jax.jit(kernel)(*tuple(_d.values())))

</pallas_src>

<mosaic_0001>
#map = affine_map<(d0, d1) -> (0, 0)>
module attributes {stable_mosaic.version = 14 : i64} {
  func.func @_scaled_copy(%arg0: i32, %arg1: i32, %arg2: memref<8192x1024xf32, #tpu.memory_space<hbm>>, %arg3: memref<8192x1024xf32, #tpu.memory_space<hbm>>, %arg4: memref<8x1024xf32, #tpu.memory_space<vmem>>, %arg5: memref<8x1024xf32, #tpu.memory_space<vmem>>, %arg6: memref<8x1024xf32, #tpu.memory_space<vmem>>, %arg7: memref<8x1024xf32, #tpu.memory_space<vmem>>, %arg8: memref<8x1024xf32, #tpu.memory_space<vmem>>, %arg9: memref<8x1024xf32, #tpu.memory_space<vmem>>, %arg10: memref<8x1024xf32, #tpu.memory_space<vmem>>, %arg11: memref<8x1024xf32, #tpu.memory_space<vmem>>, %arg12: memref<!tpu.dma_semaphore, #tpu.memory_space<semaphore_mem>>, %arg13: memref<!tpu.dma_semaphore, #tpu.memory_space<semaphore_mem>>, %arg14: memref<!tpu.dma_semaphore, #tpu.memory_space<semaphore_mem>>, %arg15: memref<!tpu.dma_semaphore, #tpu.memory_space<semaphore_mem>>, %arg16: memref<!tpu.dma_semaphore, #tpu.memory_space<semaphore_mem>>, %arg17: memref<!tpu.dma_semaphore, #tpu.memory_space<semaphore_mem>>, %arg18: memref<!tpu.dma_semaphore, #tpu.memory_space<semaphore_mem>>, %arg19: memref<!tpu.dma_semaphore, #tpu.memory_space<semaphore_mem>>, %arg20: memref<!tpu.dma_semaphore, #tpu.memory_space<semaphore_mem>>, %arg21: memref<!tpu.dma_semaphore, #tpu.memory_space<semaphore_mem>>, %arg22: memref<!tpu.dma_semaphore, #tpu.memory_space<semaphore_mem>>, %arg23: memref<!tpu.dma_semaphore, #tpu.memory_space<semaphore_mem>>, %arg24: memref<!tpu.dma_semaphore, #tpu.memory_space<semaphore_mem>>, %arg25: memref<!tpu.dma_semaphore, #tpu.memory_space<semaphore_mem>>, %arg26: memref<!tpu.dma_semaphore, #tpu.memory_space<semaphore_mem>>, %arg27: memref<!tpu.dma_semaphore, #tpu.memory_space<semaphore_mem>>) attributes {dimension_semantics = [#tpu.dimension_semantics<core_parallel>, #tpu.dimension_semantics<subcore_parallel>], iteration_bounds = array<i64: 2, 16>, scalar_prefetch = 0 : i64, scratch_operands = 24 : i64, tpu.core_type = #tpu.core_type<sc_vector_subcore>, window_params = [{transform_indices = #map}, {transform_indices = #map}]} {
    %mul3A = arith.constant 2 : i32
    %mul3A_0 = arith.muli %arg1, %mul3A : i32
    %add3A = arith.addi %mul3A_0, %arg0 : i32
    %mul3A_1 = arith.constant 256 : i32
    %mul3A_2 = arith.muli %add3A, %mul3A_1 : i32
    %add3A_3 = arith.constant 0 : i32
    %add3A_4 = arith.addi %mul3A_2, %add3A_3 : i32
    %dma_start3A = arith.constant 0 : i32
    %dma_start3A_5 = tpu.memref_slice %arg2[%add3A_4, %dma_start3A] : memref<8192x1024xf32, #tpu.memory_space<hbm>> -> memref<8x1024xf32, #tpu.memory_space<hbm>>
    %dma_start3A_6 = arith.constant 0 : i32
    %dma_start3A_7 = tpu.memref_slice %arg2[%add3A_4, %dma_start3A_6] : memref<8192x1024xf32, #tpu.memory_space<hbm>> -> memref<8x1024xf32, #tpu.memory_space<hbm>>
    tpu.enqueue_dma source(%dma_start3A_7 : memref<8x1024xf32, #tpu.memory_space<hbm>>) target(%arg4 : memref<8x1024xf32, #tpu.memory_space<vmem>>) target_semaphore(%arg12 : memref<!tpu.dma_semaphore, #tpu.memory_space<semaphore_mem>>)
    %add3A_8 = arith.constant 8 : i32
    %add3A_9 = arith.addi %mul3A_2, %add3A_8 : i32
    %dma_start3A_10 = arith.constant 0 : i32
    %dma_start3A_11 = tpu.memref_slice %arg2[%add3A_9, %dma_start3A_10] : memref<8192x1024xf32, #tpu.memory_space<hbm>> -> memref<8x1024xf32, #tpu.memory_space<hbm>>
    %dma_start3A_12 = arith.constant 0 : i32
    %dma_start3A_13 = tpu.memref_slice %arg2[%add3A_9, %dma_start3A_12] : memref<8192x1024xf32, #tpu.memory_space<hbm>> -> memref<8x1024xf32, #tpu.memory_space<hbm>>
    tpu.enqueue_dma source(%dma_start3A_13 : memref<8x1024xf32, #tpu.memory_space<hbm>>) target(%arg5 : memref<8x1024xf32, #tpu.memory_space<vmem>>) target_semaphore(%arg13 : memref<!tpu.dma_semaphore, #tpu.memory_space<semaphore_mem>>)
    %add3A_14 = arith.constant 16 : i32
    %add3A_15 = arith.addi %mul3A_2, %add3A_14 : i32
    %dma_start3A_16 = arith.constant 0 : i32
    %dma_start3A_17 = tpu.memref_slice %arg2[%add3A_15, %dma_start3A_16] : memref<8192x1024xf32, #tpu.memory_space<hbm>> -> memref<8x1024xf32, #tpu.memory_space<hbm>>
    %dma_start3A_18 = arith.constant 0 : i32
    %dma_start3A_19 = tpu.memref_slice %arg2[%add3A_15, %dma_start3A_18] : memref<8192x1024xf32, #tpu.memory_space<hbm>> -> memref<8x1024xf32, #tpu.memory_space<hbm>>
    tpu.enqueue_dma source(%dma_start3A_19 : memref<8x1024xf32, #tpu.memory_space<hbm>>) target(%arg6 : memref<8x1024xf32, #tpu.memory_space<vmem>>) target_semaphore(%arg14 : memref<!tpu.dma_semaphore, #tpu.memory_space<semaphore_mem>>)
    %add3A_20 = arith.constant 24 : i32
    %add3A_21 = arith.addi %mul3A_2, %add3A_20 : i32
    %dma_start3A_22 = arith.constant 0 : i32
    %dma_start3A_23 = tpu.memref_slice %arg2[%add3A_21, %dma_start3A_22] : memref<8192x1024xf32, #tpu.memory_space<hbm>> -> memref<8x1024xf32, #tpu.memory_space<hbm>>
    %dma_start3A_24 = arith.constant 0 : i32
    %dma_start3A_25 = tpu.memref_slice %arg2[%add3A_21, %dma_start3A_24] : memref<8192x1024xf32, #tpu.memory_space<hbm>> -> memref<8x1024xf32, #tpu.memory_space<hbm>>
    tpu.enqueue_dma source(%dma_start3A_25 : memref<8x1024xf32, #tpu.memory_space<hbm>>) target(%arg7 : memref<8x1024xf32, #tpu.memory_space<vmem>>) target_semaphore(%arg15 : memref<!tpu.dma_semaphore, #tpu.memory_space<semaphore_mem>>)
    %add3A_26 = arith.constant 32 : i32
    %add3A_27 = arith.addi %mul3A_2, %add3A_26 : i32
    %dma_start3A_28 = arith.constant 0 : i32
    %dma_start3A_29 = tpu.memref_slice %arg2[%add3A_27, %dma_start3A_28] : memref<8192x1024xf32, #tpu.memory_space<hbm>> -> memref<8x1024xf32, #tpu.memory_space<hbm>>
    %dma_start3A_30 = arith.constant 0 : i32
    %dma_start3A_31 = tpu.memref_slice %arg2[%add3A_27, %dma_start3A_30] : memref<8192x1024xf32, #tpu.memory_space<hbm>> -> memref<8x1024xf32, #tpu.memory_space<hbm>>
    tpu.enqueue_dma source(%dma_start3A_31 : memref<8x1024xf32, #tpu.memory_space<hbm>>) target(%arg8 : memref<8x1024xf32, #tpu.memory_space<vmem>>) target_semaphore(%arg16 : memref<!tpu.dma_semaphore, #tpu.memory_space<semaphore_mem>>)
    %add3A_32 = arith.constant 40 : i32
    %add3A_33 = arith.addi %mul3A_2, %add3A_32 : i32
    %dma_start3A_34 = arith.constant 0 : i32
    %dma_start3A_35 = tpu.memref_slice %arg2[%add3A_33, %dma_start3A_34] : memref<8192x1024xf32, #tpu.memory_space<hbm>> -> memref<8x1024xf32, #tpu.memory_space<hbm>>
    %dma_start3A_36 = arith.constant 0 : i32
    %dma_start3A_37 = tpu.memref_slice %arg2[%add3A_33, %dma_start3A_36] : memref<8192x1024xf32, #tpu.memory_space<hbm>> -> memref<8x1024xf32, #tpu.memory_space<hbm>>
    tpu.enqueue_dma source(%dma_start3A_37 : memref<8x1024xf32, #tpu.memory_space<hbm>>) target(%arg9 : memref<8x1024xf32, #tpu.memory_space<vmem>>) target_semaphore(%arg17 : memref<!tpu.dma_semaphore, #tpu.memory_space<semaphore_mem>>)
    %add3A_38 = arith.constant 48 : i32
    %add3A_39 = arith.addi %mul3A_2, %add3A_38 : i32
    %dma_start3A_40 = arith.constant 0 : i32
    %dma_start3A_41 = tpu.memref_slice %arg2[%add3A_39, %dma_start3A_40] : memref<8192x1024xf32, #tpu.memory_space<hbm>> -> memref<8x1024xf32, #tpu.memory_space<hbm>>
    %dma_start3A_42 = arith.constant 0 : i32
    %dma_start3A_43 = tpu.memref_slice %arg2[%add3A_39, %dma_start3A_42] : memref<8192x1024xf32, #tpu.memory_space<hbm>> -> memref<8x1024xf32, #tpu.memory_space<hbm>>
    tpu.enqueue_dma source(%dma_start3A_43 : memref<8x1024xf32, #tpu.memory_space<hbm>>) target(%arg10 : memref<8x1024xf32, #tpu.memory_space<vmem>>) target_semaphore(%arg18 : memref<!tpu.dma_semaphore, #tpu.memory_space<semaphore_mem>>)
    %add3A_44 = arith.constant 56 : i32
    %add3A_45 = arith.addi %mul3A_2, %add3A_44 : i32
    %dma_start3A_46 = arith.constant 0 : i32
    %dma_start3A_47 = tpu.memref_slice %arg2[%add3A_45, %dma_start3A_46] : memref<8192x1024xf32, #tpu.memory_space<hbm>> -> memref<8x1024xf32, #tpu.memory_space<hbm>>
    %dma_start3A_48 = arith.constant 0 : i32
    %dma_start3A_49 = tpu.memref_slice %arg2[%add3A_45, %dma_start3A_48] : memref<8192x1024xf32, #tpu.memory_space<hbm>> -> memref<8x1024xf32, #tpu.memory_space<hbm>>
    tpu.enqueue_dma source(%dma_start3A_49 : memref<8x1024xf32, #tpu.memory_space<hbm>>) target(%arg11 : memref<8x1024xf32, #tpu.memory_space<vmem>>) target_semaphore(%arg19 : memref<!tpu.dma_semaphore, #tpu.memory_space<semaphore_mem>>)
    %scan3A = arith.constant 0 : i32
    %scan3A_50 = arith.constant 4 : i32
    %scan3A_51 = arith.addi %scan3A, %scan3A_50 : i32
    %scan3A_52 = arith.constant 1 : i32
    scf.for %scan3A_101 = %scan3A to %scan3A_51 step %scan3A_52  : i32 {
      %mul3A_102 = arith.constant 1 : i32
      %mul3A_103 = arith.muli %scan3A_101, %mul3A_102 : i32
      %add3A_104 = arith.constant 0 : i32
      %add3A_105 = arith.addi %add3A_104, %mul3A_103 : i32
      %mul3A_106 = arith.constant 8 : i32
      %mul3A_107 = arith.muli %add3A_105, %mul3A_106 : i32
      %add3A_108 = arith.constant 0 : i32
      %add3A_109 = arith.addi %mul3A_107, %add3A_108 : i32
      %sub3A = arith.constant 1 : i32
      %sub3A_110 = arith.subi %add3A_109, %sub3A : i32
      %ge3A = arith.constant 0 : i32
      %ge3A_111 = arith.cmpi sge, %sub3A_110, %ge3A : i32
      %add3A_112 = arith.constant 8 : i32
      %add3A_113 = arith.addi %sub3A_110, %add3A_112 : i32
      %lt3A = arith.constant 32 : i32
      %lt3A_114 = arith.cmpi slt, %add3A_113, %lt3A : i32
      %and3A = arith.andi %ge3A_111, %lt3A_114 : i1
      %convert_element_type3A = arith.extui %and3A : i1 to i32
      %cond3A = arith.constant 0 : i32
      %cond3A_115 = arith.cmpi ne, %convert_element_type3A, %cond3A : i32
      scf.if %cond3A_115 {
        %mul3A_363 = arith.constant 8 : i32
        %mul3A_364 = arith.muli %sub3A_110, %mul3A_363 : i32
        %add3A_365 = arith.addi %mul3A_2, %mul3A_364 : i32
        %dma_wait3A_366 = arith.constant 0 : i32
        %dma_wait3A_367 = tpu.memref_slice %arg3[%add3A_365, %dma_wait3A_366] : memref<8192x1024xf32, #tpu.memory_space<hbm>> -> memref<8x1024xf32, #tpu.memory_space<hbm>>
        %dma_wait3A_368 = arith.constant 0 : i32
        %dma_wait3A_369 = tpu.memref_slice %arg3[%add3A_365, %dma_wait3A_368] : memref<8192x1024xf32, #tpu.memory_space<hbm>> -> memref<8x1024xf32, #tpu.memory_space<hbm>>
        tpu.wait_dma2 semaphore(%arg27 : memref<!tpu.dma_semaphore, #tpu.memory_space<semaphore_mem>>) src(%arg11 : memref<8x1024xf32, #tpu.memory_space<vmem>>) dst(%dma_wait3A_369 : memref<8x1024xf32, #tpu.memory_space<hbm>>)
        %add3A_370 = arith.constant 8 : i32
        %add3A_371 = arith.addi %sub3A_110, %add3A_370 : i32
        %mul3A_372 = arith.constant 8 : i32
        %mul3A_373 = arith.muli %add3A_371, %mul3A_372 : i32
        %add3A_374 = arith.addi %mul3A_2, %mul3A_373 : i32
        %dma_start3A_375 = arith.constant 0 : i32
        %dma_start3A_376 = tpu.memref_slice %arg2[%add3A_374, %dma_start3A_375] : memref<8192x1024xf32, #tpu.memory_space<hbm>> -> memref<8x1024xf32, #tpu.memory_space<hbm>>
        %dma_start3A_377 = arith.constant 0 : i32
        %dma_start3A_378 = tpu.memref_slice %arg2[%add3A_374, %dma_start3A_377] : memref<8192x1024xf32, #tpu.memory_space<hbm>> -> memref<8x1024xf32, #tpu.memory_space<hbm>>
        tpu.enqueue_dma source(%dma_start3A_378 : memref<8x1024xf32, #tpu.memory_space<hbm>>) target(%arg11 : memref<8x1024xf32, #tpu.memory_space<vmem>>) target_semaphore(%arg19 : memref<!tpu.dma_semaphore, #tpu.memory_space<semaphore_mem>>)
      } else {
      }
      %mul3A_116 = arith.constant 8 : i32
      %mul3A_117 = arith.muli %add3A_109, %mul3A_116 : i32
      %add3A_118 = arith.addi %mul3A_2, %mul3A_117 : i32
      %dma_wait3A_119 = arith.constant 0 : i32
      %dma_wait3A_120 = tpu.memref_slice %arg2[%add3A_118, %dma_wait3A_119] : memref<8192x1024xf32, #tpu.memory_space<hbm>> -> memref<8x1024xf32, #tpu.memory_space<hbm>>
      %dma_wait3A_121 = arith.constant 0 : i32
      %dma_wait3A_122 = tpu.memref_slice %arg2[%add3A_118, %dma_wait3A_121] : memref<8192x1024xf32, #tpu.memory_space<hbm>> -> memref<8x1024xf32, #tpu.memory_space<hbm>>
      tpu.wait_dma2 semaphore(%arg12 : memref<!tpu.dma_semaphore, #tpu.memory_space<semaphore_mem>>) src(%dma_wait3A_122 : memref<8x1024xf32, #tpu.memory_space<hbm>>) dst(%arg4 : memref<8x1024xf32, #tpu.memory_space<vmem>>)
      %parallel_loop3A = arith.constant 0 : i32
      %parallel_loop3A_123 = arith.constant 512 : i32
      %parallel_loop3A_124 = arith.constant 1 : i32
      scf.for %parallel_loop3A_363 = %parallel_loop3A to %parallel_loop3A_123 step %parallel_loop3A_124  : i32 {
        %parallel_loop3A_364 = arith.constant 64 : i32
        %parallel_loop3A_365 = arith.divsi %parallel_loop3A_363, %parallel_loop3A_364 : i32
        %parallel_loop3A_366 = arith.constant 0 : i32
        %parallel_loop3A_367 = arith.cmpi sgt, %parallel_loop3A_363, %parallel_loop3A_366 : i32
        %parallel_loop3A_368 = arith.extui %parallel_loop3A_367 : i1 to i32
        %parallel_loop3A_369 = arith.constant 0 : i32
        %parallel_loop3A_370 = arith.cmpi slt, %parallel_loop3A_363, %parallel_loop3A_369 : i32
        %parallel_loop3A_371 = arith.extui %parallel_loop3A_370 : i1 to i32
        %parallel_loop3A_372 = arith.subi %parallel_loop3A_368, %parallel_loop3A_371 : i32
        %parallel_loop3A_373 = arith.constant 0 : i32
        %parallel_loop3A_374 = arith.cmpi sgt, %parallel_loop3A_364, %parallel_loop3A_373 : i32
        %parallel_loop3A_375 = arith.extui %parallel_loop3A_374 : i1 to i32
        %parallel_loop3A_376 = arith.constant 0 : i32
        %parallel_loop3A_377 = arith.cmpi slt, %parallel_loop3A_364, %parallel_loop3A_376 : i32
        %parallel_loop3A_378 = arith.extui %parallel_loop3A_377 : i1 to i32
        %parallel_loop3A_379 = arith.subi %parallel_loop3A_375, %parallel_loop3A_378 : i32
        %parallel_loop3A_380 = arith.cmpi ne, %parallel_loop3A_372, %parallel_loop3A_379 : i32
        %parallel_loop3A_381 = arith.remsi %parallel_loop3A_363, %parallel_loop3A_364 : i32
        %parallel_loop3A_382 = arith.constant 0 : i32
        %parallel_loop3A_383 = arith.cmpi ne, %parallel_loop3A_381, %parallel_loop3A_382 : i32
        %parallel_loop3A_384 = arith.andi %parallel_loop3A_380, %parallel_loop3A_383 : i1
        %parallel_loop3A_385 = arith.constant 1 : i32
        %parallel_loop3A_386 = arith.subi %parallel_loop3A_365, %parallel_loop3A_385 : i32
        %parallel_loop3A_387 = arith.select %parallel_loop3A_384, %parallel_loop3A_386, %parallel_loop3A_365 : i32
        %parallel_loop3A_388 = arith.constant 64 : i32
        %parallel_loop3A_389 = arith.constant 0 : i32
        %parallel_loop3A_390 = arith.cmpi eq, %parallel_loop3A_388, %parallel_loop3A_389 : i32
        %parallel_loop3A_391 = arith.constant 1 : i32
        %parallel_loop3A_392 = arith.select %parallel_loop3A_390, %parallel_loop3A_391, %parallel_loop3A_388 : i32
        %parallel_loop3A_393 = arith.remsi %parallel_loop3A_363, %parallel_loop3A_392 : i32
        %parallel_loop3A_394 = arith.constant 0 : i32
        %parallel_loop3A_395 = arith.cmpi ne, %parallel_loop3A_393, %parallel_loop3A_394 : i32
        %parallel_loop3A_396 = arith.constant 0 : i32
        %parallel_loop3A_397 = arith.cmpi slt, %parallel_loop3A_393, %parallel_loop3A_396 : i32
        %parallel_loop3A_398 = arith.constant 0 : i32
        %parallel_loop3A_399 = arith.cmpi slt, %parallel_loop3A_392, %parallel_loop3A_398 : i32
        %parallel_loop3A_400 = arith.xori %parallel_loop3A_397, %parallel_loop3A_399 : i1
        %parallel_loop3A_401 = arith.andi %parallel_loop3A_400, %parallel_loop3A_395 : i1
        %parallel_loop3A_402 = arith.addi %parallel_loop3A_393, %parallel_loop3A_392 : i32
        %parallel_loop3A_403 = arith.select %parallel_loop3A_401, %parallel_loop3A_402, %parallel_loop3A_393 : i32
        %parallel_loop3A_404 = arith.constant 16 : i32
        %parallel_loop3A_405 = arith.muli %parallel_loop3A_403, %parallel_loop3A_404 : i32
        %parallel_loop3A_406 = arith.index_cast %parallel_loop3A_387 : i32 to index
        %parallel_loop3A_407 = arith.index_cast %parallel_loop3A_405 : i32 to index
        %parallel_loop3A_408 = tpu.vector_load %arg4[%parallel_loop3A_406, %parallel_loop3A_407] {strides = array<i32>} : memref<8x1024xf32, #tpu.memory_space<vmem>>, vector<1x16xf32>,
        %parallel_loop3A_409 = vector.shape_cast %parallel_loop3A_408 : vector<1x16xf32> to vector<16xf32>
        %parallel_loop3A_410 = arith.constant 3.125000e-02 : f32
        %parallel_loop3A_411 = vector.broadcast %parallel_loop3A_410 : f32 to vector<16xf32>
        %parallel_loop3A_412 = arith.mulf %parallel_loop3A_409, %parallel_loop3A_411 : vector<16xf32>
        %parallel_loop3A_413 = arith.index_cast %parallel_loop3A_387 : i32 to index
        %parallel_loop3A_414 = arith.index_cast %parallel_loop3A_405 : i32 to index
        %parallel_loop3A_415 = tpu.vector_load %arg4[%parallel_loop3A_413, %parallel_loop3A_414] {strides = array<i32>} : memref<8x1024xf32, #tpu.memory_space<vmem>>, vector<1x16xf32>,
        %parallel_loop3A_416 = vector.shape_cast %parallel_loop3A_415 : vector<1x16xf32> to vector<16xf32>
        %parallel_loop3A_417 = vector.shape_cast %parallel_loop3A_412 : vector<16xf32> to vector<1x16xf32>
        tpu.vector_store %arg4[%parallel_loop3A_413, %parallel_loop3A_414], %parallel_loop3A_417 {strides = array<i32>} : memref<8x1024xf32, #tpu.memory_space<vmem>>, vector<1x16xf32>,
      } {sc.loop_unroll_factor = 8 : i64, sc.parallel_access}
      %mul3A_125 = arith.constant 8 : i32
      %mul3A_126 = arith.muli %add3A_109, %mul3A_125 : i32
      %add3A_127 = arith.addi %mul3A_2, %mul3A_126 : i32
      %dma_start3A_128 = arith.constant 0 : i32
      %dma_start3A_129 = tpu.memref_slice %arg3[%add3A_127, %dma_start3A_128] : memref<8192x1024xf32, #tpu.memory_space<hbm>> -> memref<8x1024xf32, #tpu.memory_space<hbm>>
      %dma_start3A_130 = arith.constant 0 : i32
      %dma_start3A_131 = tpu.memref_slice %arg3[%add3A_127, %dma_start3A_130] : memref<8192x1024xf32, #tpu.memory_space<hbm>> -> memref<8x1024xf32, #tpu.memory_space<hbm>>
      tpu.enqueue_dma source(%arg4 : memref<8x1024xf32, #tpu.memory_space<vmem>>) target(%dma_start3A_131 : memref<8x1024xf32, #tpu.memory_space<hbm>>) target_semaphore(%arg20 : memref<!tpu.dma_semaphore, #tpu.memory_space<semaphore_mem>>)
      %mul3A_132 = arith.constant 8 : i32
      %mul3A_133 = arith.muli %add3A_105, %mul3A_132 : i32
      %add3A_134 = arith.constant 1 : i32
      %add3A_135 = arith.addi %mul3A_133, %add3A_134 : i32
      %sub3A_136 = arith.constant 1 : i32
      %sub3A_137 = arith.subi %add3A_135, %sub3A_136 : i32
      %ge3A_138 = arith.constant 0 : i32
      %ge3A_139 = arith.cmpi sge, %sub3A_137, %ge3A_138 : i32
      %add3A_140 = arith.constant 8 : i32
      %add3A_141 = arith.addi %sub3A_137, %add3A_140 : i32
      %lt3A_142 = arith.constant 32 : i32
      %lt3A_143 = arith.cmpi slt, %add3A_141, %lt3A_142 : i32
      %and3A_144 = arith.andi %ge3A_139, %lt3A_143 : i1
      %convert_element_type3A_145 = arith.extui %and3A_144 : i1 to i32
      %cond3A_146 = arith.constant 0 : i32
      %cond3A_147 = arith.cmpi ne, %convert_element_type3A_145, %cond3A_146 : i32
      scf.if %cond3A_147 {
        %mul3A_363 = arith.constant 8 : i32
        %mul3A_364 = arith.muli %sub3A_137, %mul3A_363 : i32
        %add3A_365 = arith.addi %mul3A_2, %mul3A_364 : i32
        %dma_wait3A_366 = arith.constant 0 : i32
        %dma_wait3A_367 = tpu.memref_slice %arg3[%add3A_365, %dma_wait3A_366] : memref<8192x1024xf32, #tpu.memory_space<hbm>> -> memref<8x1024xf32, #tpu.memory_space<hbm>>
        %dma_wait3A_368 = arith.constant 0 : i32
        %dma_wait3A_369 = tpu.memref_slice %arg3[%add3A_365, %dma_wait3A_368] : memref<8192x1024xf32, #tpu.memory_space<hbm>> -> memref<8x1024xf32, #tpu.memory_space<hbm>>
        tpu.wait_dma2 semaphore(%arg20 : memref<!tpu.dma_semaphore, #tpu.memory_space<semaphore_mem>>) src(%arg4 : memref<8x1024xf32, #tpu.memory_space<vmem>>) dst(%dma_wait3A_369 : memref<8x1024xf32, #tpu.memory_space<hbm>>)
        %add3A_370 = arith.constant 8 : i32
        %add3A_371 = arith.addi %sub3A_137, %add3A_370 : i32
        %mul3A_372 = arith.constant 8 : i32
        %mul3A_373 = arith.muli %add3A_371, %mul3A_372 : i32
        %add3A_374 = arith.addi %mul3A_2, %mul3A_373 : i32
        %dma_start3A_375 = arith.constant 0 : i32
        %dma_start3A_376 = tpu.memref_slice %arg2[%add3A_374, %dma_start3A_375] : memref<8192x1024xf32, #tpu.memory_space<hbm>> -> memref<8x1024xf32, #tpu.memory_space<hbm>>
        %dma_start3A_377 = arith.constant 0 : i32
        %dma_start3A_378 = tpu.memref_slice %arg2[%add3A_374, %dma_start3A_377] : memref<8192x1024xf32, #tpu.memory_space<hbm>> -> memref<8x1024xf32, #tpu.memory_space<hbm>>
        tpu.enqueue_dma source(%dma_start3A_378 : memref<8x1024xf32, #tpu.memory_space<hbm>>) target(%arg4 : memref<8x1024xf32, #tpu.memory_space<vmem>>) target_semaphore(%arg12 : memref<!tpu.dma_semaphore, #tpu.memory_space<semaphore_mem>>)
      } else {
      }
      %mul3A_148 = arith.constant 8 : i32
      %mul3A_149 = arith.muli %add3A_135, %mul3A_148 : i32
      %add3A_150 = arith.addi %mul3A_2, %mul3A_149 : i32
      %dma_wait3A_151 = arith.constant 0 : i32
      %dma_wait3A_152 = tpu.memref_slice %arg2[%add3A_150, %dma_wait3A_151] : memref<8192x1024xf32, #tpu.memory_space<hbm>> -> memref<8x1024xf32, #tpu.memory_space<hbm>>
      %dma_wait3A_153 = arith.constant 0 : i32
      %dma_wait3A_154 = tpu.memref_slice %arg2[%add3A_150, %dma_wait3A_153] : memref<8192x1024xf32, #tpu.memory_space<hbm>> -> memref<8x1024xf32, #tpu.memory_space<hbm>>
      tpu.wait_dma2 semaphore(%arg13 : memref<!tpu.dma_semaphore, #tpu.memory_space<semaphore_mem>>) src(%dma_wait3A_154 : memref<8x1024xf32, #tpu.memory_space<hbm>>) dst(%arg5 : memref<8x1024xf32, #tpu.memory_space<vmem>>)
      %parallel_loop3A_155 = arith.constant 0 : i32
      %parallel_loop3A_156 = arith.constant 512 : i32
      %parallel_loop3A_157 = arith.constant 1 : i32
      scf.for %parallel_loop3A_363 = %parallel_loop3A_155 to %parallel_loop3A_156 step %parallel_loop3A_157  : i32 {
        %parallel_loop3A_364 = arith.constant 64 : i32
        %parallel_loop3A_365 = arith.divsi %parallel_loop3A_363, %parallel_loop3A_364 : i32
        %parallel_loop3A_366 = arith.constant 0 : i32
        %parallel_loop3A_367 = arith.cmpi sgt, %parallel_loop3A_363, %parallel_loop3A_366 : i32
        %parallel_loop3A_368 = arith.extui %parallel_loop3A_367 : i1 to i32
        %parallel_loop3A_369 = arith.constant 0 : i32
        %parallel_loop3A_370 = arith.cmpi slt, %parallel_loop3A_363, %parallel_loop3A_369 : i32
        %parallel_loop3A_371 = arith.extui %parallel_loop3A_370 : i1 to i32
        %parallel_loop3A_372 = arith.subi %parallel_loop3A_368, %parallel_loop3A_371 : i32
        %parallel_loop3A_373 = arith.constant 0 : i32
        %parallel_loop3A_374 = arith.cmpi sgt, %parallel_loop3A_364, %parallel_loop3A_373 : i32
        %parallel_loop3A_375 = arith.extui %parallel_loop3A_374 : i1 to i32
        %parallel_loop3A_376 = arith.constant 0 : i32
        %parallel_loop3A_377 = arith.cmpi slt, %parallel_loop3A_364, %parallel_loop3A_376 : i32
        %parallel_loop3A_378 = arith.extui %parallel_loop3A_377 : i1 to i32
        %parallel_loop3A_379 = arith.subi %parallel_loop3A_375, %parallel_loop3A_378 : i32
        %parallel_loop3A_380 = arith.cmpi ne, %parallel_loop3A_372, %parallel_loop3A_379 : i32
        %parallel_loop3A_381 = arith.remsi %parallel_loop3A_363, %parallel_loop3A_364 : i32
        %parallel_loop3A_382 = arith.constant 0 : i32
        %parallel_loop3A_383 = arith.cmpi ne, %parallel_loop3A_381, %parallel_loop3A_382 : i32
        %parallel_loop3A_384 = arith.andi %parallel_loop3A_380, %parallel_loop3A_383 : i1
        %parallel_loop3A_385 = arith.constant 1 : i32
        %parallel_loop3A_386 = arith.subi %parallel_loop3A_365, %parallel_loop3A_385 : i32
        %parallel_loop3A_387 = arith.select %parallel_loop3A_384, %parallel_loop3A_386, %parallel_loop3A_365 : i32
        %parallel_loop3A_388 = arith.constant 64 : i32
        %parallel_loop3A_389 = arith.constant 0 : i32
        %parallel_loop3A_390 = arith.cmpi eq, %parallel_loop3A_388, %parallel_loop3A_389 : i32
        %parallel_loop3A_391 = arith.constant 1 : i32
        %parallel_loop3A_392 = arith.select %parallel_loop3A_390, %parallel_loop3A_391, %parallel_loop3A_388 : i32
        %parallel_loop3A_393 = arith.remsi %parallel_loop3A_363, %parallel_loop3A_392 : i32
        %parallel_loop3A_394 = arith.constant 0 : i32
        %parallel_loop3A_395 = arith.cmpi ne, %parallel_loop3A_393, %parallel_loop3A_394 : i32
        %parallel_loop3A_396 = arith.constant 0 : i32
        %parallel_loop3A_397 = arith.cmpi slt, %parallel_loop3A_393, %parallel_loop3A_396 : i32
        %parallel_loop3A_398 = arith.constant 0 : i32
        %parallel_loop3A_399 = arith.cmpi slt, %parallel_loop3A_392, %parallel_loop3A_398 : i32
        %parallel_loop3A_400 = arith.xori %parallel_loop3A_397, %parallel_loop3A_399 : i1
        %parallel_loop3A_401 = arith.andi %parallel_loop3A_400, %parallel_loop3A_395 : i1
        %parallel_loop3A_402 = arith.addi %parallel_loop3A_393, %parallel_loop3A_392 : i32
        %parallel_loop3A_403 = arith.select %parallel_loop3A_401, %parallel_loop3A_402, %parallel_loop3A_393 : i32
        %parallel_loop3A_404 = arith.constant 16 : i32
        %parallel_loop3A_405 = arith.muli %parallel_loop3A_403, %parallel_loop3A_404 : i32
        %parallel_loop3A_406 = arith.index_cast %parallel_loop3A_387 : i32 to index
        %parallel_loop3A_407 = arith.index_cast %parallel_loop3A_405 : i32 to index
        %parallel_loop3A_408 = tpu.vector_load %arg5[%parallel_loop3A_406, %parallel_loop3A_407] {strides = array<i32>} : memref<8x1024xf32, #tpu.memory_space<vmem>>, vector<1x16xf32>,
        %parallel_loop3A_409 = vector.shape_cast %parallel_loop3A_408 : vector<1x16xf32> to vector<16xf32>
        %parallel_loop3A_410 = arith.constant 3.125000e-02 : f32
        %parallel_loop3A_411 = vector.broadcast %parallel_loop3A_410 : f32 to vector<16xf32>
        %parallel_loop3A_412 = arith.mulf %parallel_loop3A_409, %parallel_loop3A_411 : vector<16xf32>
        %parallel_loop3A_413 = arith.index_cast %parallel_loop3A_387 : i32 to index
        %parallel_loop3A_414 = arith.index_cast %parallel_loop3A_405 : i32 to index
        %parallel_loop3A_415 = tpu.vector_load %arg5[%parallel_loop3A_413, %parallel_loop3A_414] {strides = array<i32>} : memref<8x1024xf32, #tpu.memory_space<vmem>>, vector<1x16xf32>,
        %parallel_loop3A_416 = vector.shape_cast %parallel_loop3A_415 : vector<1x16xf32> to vector<16xf32>
        %parallel_loop3A_417 = vector.shape_cast %parallel_loop3A_412 : vector<16xf32> to vector<1x16xf32>
        tpu.vector_store %arg5[%parallel_loop3A_413, %parallel_loop3A_414], %parallel_loop3A_417 {strides = array<i32>} : memref<8x1024xf32, #tpu.memory_space<vmem>>, vector<1x16xf32>,
      } {sc.loop_unroll_factor = 8 : i64, sc.parallel_access}
      %mul3A_158 = arith.constant 8 : i32
      %mul3A_159 = arith.muli %add3A_135, %mul3A_158 : i32
      %add3A_160 = arith.addi %mul3A_2, %mul3A_159 : i32
      %dma_start3A_161 = arith.constant 0 : i32
      %dma_start3A_162 = tpu.memref_slice %arg3[%add3A_160, %dma_start3A_161] : memref<8192x1024xf32, #tpu.memory_space<hbm>> -> memref<8x1024xf32, #tpu.memory_space<hbm>>
      %dma_start3A_163 = arith.constant 0 : i32
      %dma_start3A_164 = tpu.memref_slice %arg3[%add3A_160, %dma_start3A_163] : memref<8192x1024xf32, #tpu.memory_space<hbm>> -> memref<8x1024xf32, #tpu.memory_space<hbm>>
      tpu.enqueue_dma source(%arg5 : memref<8x1024xf32, #tpu.memory_space<vmem>>) target(%dma_start3A_164 : memref<8x1024xf32, #tpu.memory_space<hbm>>) target_semaphore(%arg21 : memref<!tpu.dma_semaphore, #tpu.memory_space<semaphore_mem>>)
      %mul3A_165 = arith.constant 8 : i32
      %mul3A_166 = arith.muli %add3A_105, %mul3A_165 : i32
      %add3A_167 = arith.constant 2 : i32
      %add3A_168 = arith.addi %mul3A_166, %add3A_167 : i32
      %sub3A_169 = arith.constant 1 : i32
      %sub3A_170 = arith.subi %add3A_168, %sub3A_169 : i32
      %ge3A_171 = arith.constant 0 : i32
      %ge3A_172 = arith.cmpi sge, %sub3A_170, %ge3A_171 : i32
      %add3A_173 = arith.constant 8 : i32
      %add3A_174 = arith.addi %sub3A_170, %add3A_173 : i32
      %lt3A_175 = arith.constant 32 : i32
      %lt3A_176 = arith.cmpi slt, %add3A_174, %lt3A_175 : i32
      %and3A_177 = arith.andi %ge3A_172, %lt3A_176 : i1
      %convert_element_type3A_178 = arith.extui %and3A_177 : i1 to i32
      %cond3A_179 = arith.constant 0 : i32
      %cond3A_180 = arith.cmpi ne, %convert_element_type3A_178, %cond3A_179 : i32
      scf.if %cond3A_180 {
        %mul3A_363 = arith.constant 8 : i32
        %mul3A_364 = arith.muli %sub3A_170, %mul3A_363 : i32
        %add3A_365 = arith.addi %mul3A_2, %mul3A_364 : i32
        %dma_wait3A_366 = arith.constant 0 : i32
        %dma_wait3A_367 = tpu.memref_slice %arg3[%add3A_365, %dma_wait3A_366] : memref<8192x1024xf32, #tpu.memory_space<hbm>> -> memref<8x1024xf32, #tpu.memory_space<hbm>>
        %dma_wait3A_368 = arith.constant 0 : i32
        %dma_wait3A_369 = tpu.memref_slice %arg3[%add3A_365, %dma_wait3A_368] : memref<8192x1024xf32, #tpu.memory_space<hbm>> -> memref<8x1024xf32, #tpu.memory_space<hbm>>
        tpu.wait_dma2 semaphore(%arg21 : memref<!tpu.dma_semaphore, #tpu.memory_space<semaphore_mem>>) src(%arg5 : memref<8x1024xf32, #tpu.memory_space<vmem>>) dst(%dma_wait3A_369 : memref<8x1024xf32, #tpu.memory_space<hbm>>)
        %add3A_370 = arith.constant 8 : i32
        %add3A_371 = arith.addi %sub3A_170, %add3A_370 : i32
        %mul3A_372 = arith.constant 8 : i32
        %mul3A_373 = arith.muli %add3A_371, %mul3A_372 : i32
        %add3A_374 = arith.addi %mul3A_2, %mul3A_373 : i32
        %dma_start3A_375 = arith.constant 0 : i32
        %dma_start3A_376 = tpu.memref_slice %arg2[%add3A_374, %dma_start3A_375] : memref<8192x1024xf32, #tpu.memory_space<hbm>> -> memref<8x1024xf32, #tpu.memory_space<hbm>>
        %dma_start3A_377 = arith.constant 0 : i32
        %dma_start3A_378 = tpu.memref_slice %arg2[%add3A_374, %dma_start3A_377] : memref<8192x1024xf32, #tpu.memory_space<hbm>> -> memref<8x1024xf32, #tpu.memory_space<hbm>>
        tpu.enqueue_dma source(%dma_start3A_378 : memref<8x1024xf32, #tpu.memory_space<hbm>>) target(%arg5 : memref<8x1024xf32, #tpu.memory_space<vmem>>) target_semaphore(%arg13 : memref<!tpu.dma_semaphore, #tpu.memory_space<semaphore_mem>>)
      } else {
      }
      %mul3A_181 = arith.constant 8 : i32
      %mul3A_182 = arith.muli %add3A_168, %mul3A_181 : i32
      %add3A_183 = arith.addi %mul3A_2, %mul3A_182 : i32
      %dma_wait3A_184 = arith.constant 0 : i32
      %dma_wait3A_185 = tpu.memref_slice %arg2[%add3A_183, %dma_wait3A_184] : memref<8192x1024xf32, #tpu.memory_space<hbm>> -> memref<8x1024xf32, #tpu.memory_space<hbm>>
      %dma_wait3A_186 = arith.constant 0 : i32
      %dma_wait3A_187 = tpu.memref_slice %arg2[%add3A_183, %dma_wait3A_186] : memref<8192x1024xf32, #tpu.memory_space<hbm>> -> memref<8x1024xf32, #tpu.memory_space<hbm>>
      tpu.wait_dma2 semaphore(%arg14 : memref<!tpu.dma_semaphore, #tpu.memory_space<semaphore_mem>>) src(%dma_wait3A_187 : memref<8x1024xf32, #tpu.memory_space<hbm>>) dst(%arg6 : memref<8x1024xf32, #tpu.memory_space<vmem>>)
      %parallel_loop3A_188 = arith.constant 0 : i32
      %parallel_loop3A_189 = arith.constant 512 : i32
      %parallel_loop3A_190 = arith.constant 1 : i32
      scf.for %parallel_loop3A_363 = %parallel_loop3A_188 to %parallel_loop3A_189 step %parallel_loop3A_190  : i32 {
        %parallel_loop3A_364 = arith.constant 64 : i32
        %parallel_loop3A_365 = arith.divsi %parallel_loop3A_363, %parallel_loop3A_364 : i32
        %parallel_loop3A_366 = arith.constant 0 : i32
        %parallel_loop3A_367 = arith.cmpi sgt, %parallel_loop3A_363, %parallel_loop3A_366 : i32
        %parallel_loop3A_368 = arith.extui %parallel_loop3A_367 : i1 to i32
        %parallel_loop3A_369 = arith.constant 0 : i32
        %parallel_loop3A_370 = arith.cmpi slt, %parallel_loop3A_363, %parallel_loop3A_369 : i32
        %parallel_loop3A_371 = arith.extui %parallel_loop3A_370 : i1 to i32
        %parallel_loop3A_372 = arith.subi %parallel_loop3A_368, %parallel_loop3A_371 : i32
        %parallel_loop3A_373 = arith.constant 0 : i32
        %parallel_loop3A_374 = arith.cmpi sgt, %parallel_loop3A_364, %parallel_loop3A_373 : i32
        %parallel_loop3A_375 = arith.extui %parallel_loop3A_374 : i1 to i32
        %parallel_loop3A_376 = arith.constant 0 : i32
        %parallel_loop3A_377 = arith.cmpi slt, %parallel_loop3A_364, %parallel_loop3A_376 : i32
        %parallel_loop3A_378 = arith.extui %parallel_loop3A_377 : i1 to i32
        %parallel_loop3A_379 = arith.subi %parallel_loop3A_375, %parallel_loop3A_378 : i32
        %parallel_loop3A_380 = arith.cmpi ne, %parallel_loop3A_372, %parallel_loop3A_379 : i32
        %parallel_loop3A_381 = arith.remsi %parallel_loop3A_363, %parallel_loop3A_364 : i32
        %parallel_loop3A_382 = arith.constant 0 : i32
        %parallel_loop3A_383 = arith.cmpi ne, %parallel_loop3A_381, %parallel_loop3A_382 : i32
        %parallel_loop3A_384 = arith.andi %parallel_loop3A_380, %parallel_loop3A_383 : i1
        %parallel_loop3A_385 = arith.constant 1 : i32
        %parallel_loop3A_386 = arith.subi %parallel_loop3A_365, %parallel_loop3A_385 : i32
        %parallel_loop3A_387 = arith.select %parallel_loop3A_384, %parallel_loop3A_386, %parallel_loop3A_365 : i32
        %parallel_loop3A_388 = arith.constant 64 : i32
        %parallel_loop3A_389 = arith.constant 0 : i32
        %parallel_loop3A_390 = arith.cmpi eq, %parallel_loop3A_388, %parallel_loop3A_389 : i32
        %parallel_loop3A_391 = arith.constant 1 : i32
        %parallel_loop3A_392 = arith.select %parallel_loop3A_390, %parallel_loop3A_391, %parallel_loop3A_388 : i32
        %parallel_loop3A_393 = arith.remsi %parallel_loop3A_363, %parallel_loop3A_392 : i32
        %parallel_loop3A_394 = arith.constant 0 : i32
        %parallel_loop3A_395 = arith.cmpi ne, %parallel_loop3A_393, %parallel_loop3A_394 : i32
        %parallel_loop3A_396 = arith.constant 0 : i32
        %parallel_loop3A_397 = arith.cmpi slt, %parallel_loop3A_393, %parallel_loop3A_396 : i32
        %parallel_loop3A_398 = arith.constant 0 : i32
        %parallel_loop3A_399 = arith.cmpi slt, %parallel_loop3A_392, %parallel_loop3A_398 : i32
        %parallel_loop3A_400 = arith.xori %parallel_loop3A_397, %parallel_loop3A_399 : i1
        %parallel_loop3A_401 = arith.andi %parallel_loop3A_400, %parallel_loop3A_395 : i1
        %parallel_loop3A_402 = arith.addi %parallel_loop3A_393, %parallel_loop3A_392 : i32
        %parallel_loop3A_403 = arith.select %parallel_loop3A_401, %parallel_loop3A_402, %parallel_loop3A_393 : i32
        %parallel_loop3A_404 = arith.constant 16 : i32
        %parallel_loop3A_405 = arith.muli %parallel_loop3A_403, %parallel_loop3A_404 : i32
        %parallel_loop3A_406 = arith.index_cast %parallel_loop3A_387 : i32 to index
        %parallel_loop3A_407 = arith.index_cast %parallel_loop3A_405 : i32 to index
        %parallel_loop3A_408 = tpu.vector_load %arg6[%parallel_loop3A_406, %parallel_loop3A_407] {strides = array<i32>} : memref<8x1024xf32, #tpu.memory_space<vmem>>, vector<1x16xf32>,
        %parallel_loop3A_409 = vector.shape_cast %parallel_loop3A_408 : vector<1x16xf32> to vector<16xf32>
        %parallel_loop3A_410 = arith.constant 3.125000e-02 : f32
        %parallel_loop3A_411 = vector.broadcast %parallel_loop3A_410 : f32 to vector<16xf32>
        %parallel_loop3A_412 = arith.mulf %parallel_loop3A_409, %parallel_loop3A_411 : vector<16xf32>
        %parallel_loop3A_413 = arith.index_cast %parallel_loop3A_387 : i32 to index
        %parallel_loop3A_414 = arith.index_cast %parallel_loop3A_405 : i32 to index
        %parallel_loop3A_415 = tpu.vector_load %arg6[%parallel_loop3A_413, %parallel_loop3A_414] {strides = array<i32>} : memref<8x1024xf32, #tpu.memory_space<vmem>>, vector<1x16xf32>,
        %parallel_loop3A_416 = vector.shape_cast %parallel_loop3A_415 : vector<1x16xf32> to vector<16xf32>
        %parallel_loop3A_417 = vector.shape_cast %parallel_loop3A_412 : vector<16xf32> to vector<1x16xf32>
        tpu.vector_store %arg6[%parallel_loop3A_413, %parallel_loop3A_414], %parallel_loop3A_417 {strides = array<i32>} : memref<8x1024xf32, #tpu.memory_space<vmem>>, vector<1x16xf32>,
      } {sc.loop_unroll_factor = 8 : i64, sc.parallel_access}
      %mul3A_191 = arith.constant 8 : i32
      %mul3A_192 = arith.muli %add3A_168, %mul3A_191 : i32
      %add3A_193 = arith.addi %mul3A_2, %mul3A_192 : i32
      %dma_start3A_194 = arith.constant 0 : i32
      %dma_start3A_195 = tpu.memref_slice %arg3[%add3A_193, %dma_start3A_194] : memref<8192x1024xf32, #tpu.memory_space<hbm>> -> memref<8x1024xf32, #tpu.memory_space<hbm>>
      %dma_start3A_196 = arith.constant 0 : i32
      %dma_start3A_197 = tpu.memref_slice %arg3[%add3A_193, %dma_start3A_196] : memref<8192x1024xf32, #tpu.memory_space<hbm>> -> memref<8x1024xf32, #tpu.memory_space<hbm>>
      tpu.enqueue_dma source(%arg6 : memref<8x1024xf32, #tpu.memory_space<vmem>>) target(%dma_start3A_197 : memref<8x1024xf32, #tpu.memory_space<hbm>>) target_semaphore(%arg22 : memref<!tpu.dma_semaphore, #tpu.memory_space<semaphore_mem>>)
      %mul3A_198 = arith.constant 8 : i32
      %mul3A_199 = arith.muli %add3A_105, %mul3A_198 : i32
      %add3A_200 = arith.constant 3 : i32
      %add3A_201 = arith.addi %mul3A_199, %add3A_200 : i32
      %sub3A_202 = arith.constant 1 : i32
      %sub3A_203 = arith.subi %add3A_201, %sub3A_202 : i32
      %ge3A_204 = arith.constant 0 : i32
      %ge3A_205 = arith.cmpi sge, %sub3A_203, %ge3A_204 : i32
      %add3A_206 = arith.constant 8 : i32
      %add3A_207 = arith.addi %sub3A_203, %add3A_206 : i32
      %lt3A_208 = arith.constant 32 : i32
      %lt3A_209 = arith.cmpi slt, %add3A_207, %lt3A_208 : i32
      %and3A_210 = arith.andi %ge3A_205, %lt3A_209 : i1
      %convert_element_type3A_211 = arith.extui %and3A_210 : i1 to i32
      %cond3A_212 = arith.constant 0 : i32
      %cond3A_213 = arith.cmpi ne, %convert_element_type3A_211, %cond3A_212 : i32
      scf.if %cond3A_213 {
        %mul3A_363 = arith.constant 8 : i32
        %mul3A_364 = arith.muli %sub3A_203, %mul3A_363 : i32
        %add3A_365 = arith.addi %mul3A_2, %mul3A_364 : i32
        %dma_wait3A_366 = arith.constant 0 : i32
        %dma_wait3A_367 = tpu.memref_slice %arg3[%add3A_365, %dma_wait3A_366] : memref<8192x1024xf32, #tpu.memory_space<hbm>> -> memref<8x1024xf32, #tpu.memory_space<hbm>>
        %dma_wait3A_368 = arith.constant 0 : i32
        %dma_wait3A_369 = tpu.memref_slice %arg3[%add3A_365, %dma_wait3A_368] : memref<8192x1024xf32, #tpu.memory_space<hbm>> -> memref<8x1024xf32, #tpu.memory_space<hbm>>
        tpu.wait_dma2 semaphore(%arg22 : memref<!tpu.dma_semaphore, #tpu.memory_space<semaphore_mem>>) src(%arg6 : memref<8x1024xf32, #tpu.memory_space<vmem>>) dst(%dma_wait3A_369 : memref<8x1024xf32, #tpu.memory_space<hbm>>)
        %add3A_370 = arith.constant 8 : i32
        %add3A_371 = arith.addi %sub3A_203, %add3A_370 : i32
        %mul3A_372 = arith.constant 8 : i32
        %mul3A_373 = arith.muli %add3A_371, %mul3A_372 : i32
        %add3A_374 = arith.addi %mul3A_2, %mul3A_373 : i32
        %dma_start3A_375 = arith.constant 0 : i32
        %dma_start3A_376 = tpu.memref_slice %arg2[%add3A_374, %dma_start3A_375] : memref<8192x1024xf32, #tpu.memory_space<hbm>> -> memref<8x1024xf32, #tpu.memory_space<hbm>>
        %dma_start3A_377 = arith.constant 0 : i32
        %dma_start3A_378 = tpu.memref_slice %arg2[%add3A_374, %dma_start3A_377] : memref<8192x1024xf32, #tpu.memory_space<hbm>> -> memref<8x1024xf32, #tpu.memory_space<hbm>>
        tpu.enqueue_dma source(%dma_start3A_378 : memref<8x1024xf32, #tpu.memory_space<hbm>>) target(%arg6 : memref<8x1024xf32, #tpu.memory_space<vmem>>) target_semaphore(%arg14 : memref<!tpu.dma_semaphore, #tpu.memory_space<semaphore_mem>>)
      } else {
      }
      %mul3A_214 = arith.constant 8 : i32
      %mul3A_215 = arith.muli %add3A_201, %mul3A_214 : i32
      %add3A_216 = arith.addi %mul3A_2, %mul3A_215 : i32
      %dma_wait3A_217 = arith.constant 0 : i32
      %dma_wait3A_218 = tpu.memref_slice %arg2[%add3A_216, %dma_wait3A_217] : memref<8192x1024xf32, #tpu.memory_space<hbm>> -> memref<8x1024xf32, #tpu.memory_space<hbm>>
      %dma_wait3A_219 = arith.constant 0 : i32
      %dma_wait3A_220 = tpu.memref_slice %arg2[%add3A_216, %dma_wait3A_219] : memref<8192x1024xf32, #tpu.memory_space<hbm>> -> memref<8x1024xf32, #tpu.memory_space<hbm>>
      tpu.wait_dma2 semaphore(%arg15 : memref<!tpu.dma_semaphore, #tpu.memory_space<semaphore_mem>>) src(%dma_wait3A_220 : memref<8x1024xf32, #tpu.memory_space<hbm>>) dst(%arg7 : memref<8x1024xf32, #tpu.memory_space<vmem>>)
      %parallel_loop3A_221 = arith.constant 0 : i32
      %parallel_loop3A_222 = arith.constant 512 : i32
      %parallel_loop3A_223 = arith.constant 1 : i32
      scf.for %parallel_loop3A_363 = %parallel_loop3A_221 to %parallel_loop3A_222 step %parallel_loop3A_223  : i32 {
        %parallel_loop3A_364 = arith.constant 64 : i32
        %parallel_loop3A_365 = arith.divsi %parallel_loop3A_363, %parallel_loop3A_364 : i32
        %parallel_loop3A_366 = arith.constant 0 : i32
        %parallel_loop3A_367 = arith.cmpi sgt, %parallel_loop3A_363, %parallel_loop3A_366 : i32
        %parallel_loop3A_368 = arith.extui %parallel_loop3A_367 : i1 to i32
        %parallel_loop3A_369 = arith.constant 0 : i32
        %parallel_loop3A_370 = arith.cmpi slt, %parallel_loop3A_363, %parallel_loop3A_369 : i32
        %parallel_loop3A_371 = arith.extui %parallel_loop3A_370 : i1 to i32
        %parallel_loop3A_372 = arith.subi %parallel_loop3A_368, %parallel_loop3A_371 : i32
        %parallel_loop3A_373 = arith.constant 0 : i32
        %parallel_loop3A_374 = arith.cmpi sgt, %parallel_loop3A_364, %parallel_loop3A_373 : i32
        %parallel_loop3A_375 = arith.extui %parallel_loop3A_374 : i1 to i32
        %parallel_loop3A_376 = arith.constant 0 : i32
        %parallel_loop3A_377 = arith.cmpi slt, %parallel_loop3A_364, %parallel_loop3A_376 : i32
        %parallel_loop3A_378 = arith.extui %parallel_loop3A_377 : i1 to i32
        %parallel_loop3A_379 = arith.subi %parallel_loop3A_375, %parallel_loop3A_378 : i32
        %parallel_loop3A_380 = arith.cmpi ne, %parallel_loop3A_372, %parallel_loop3A_379 : i32
        %parallel_loop3A_381 = arith.remsi %parallel_loop3A_363, %parallel_loop3A_364 : i32
        %parallel_loop3A_382 = arith.constant 0 : i32
        %parallel_loop3A_383 = arith.cmpi ne, %parallel_loop3A_381, %parallel_loop3A_382 : i32
        %parallel_loop3A_384 = arith.andi %parallel_loop3A_380, %parallel_loop3A_383 : i1
        %parallel_loop3A_385 = arith.constant 1 : i32
        %parallel_loop3A_386 = arith.subi %parallel_loop3A_365, %parallel_loop3A_385 : i32
        %parallel_loop3A_387 = arith.select %parallel_loop3A_384, %parallel_loop3A_386, %parallel_loop3A_365 : i32
        %parallel_loop3A_388 = arith.constant 64 : i32
        %parallel_loop3A_389 = arith.constant 0 : i32
        %parallel_loop3A_390 = arith.cmpi eq, %parallel_loop3A_388, %parallel_loop3A_389 : i32
        %parallel_loop3A_391 = arith.constant 1 : i32
        %parallel_loop3A_392 = arith.select %parallel_loop3A_390, %parallel_loop3A_391, %parallel_loop3A_388 : i32
        %parallel_loop3A_393 = arith.remsi %parallel_loop3A_363, %parallel_loop3A_392 : i32
        %parallel_loop3A_394 = arith.constant 0 : i32
        %parallel_loop3A_395 = arith.cmpi ne, %parallel_loop3A_393, %parallel_loop3A_394 : i32
        %parallel_loop3A_396 = arith.constant 0 : i32
        %parallel_loop3A_397 = arith.cmpi slt, %parallel_loop3A_393, %parallel_loop3A_396 : i32
        %parallel_loop3A_398 = arith.constant 0 : i32
        %parallel_loop3A_399 = arith.cmpi slt, %parallel_loop3A_392, %parallel_loop3A_398 : i32
        %parallel_loop3A_400 = arith.xori %parallel_loop3A_397, %parallel_loop3A_399 : i1
        %parallel_loop3A_401 = arith.andi %parallel_loop3A_400, %parallel_loop3A_395 : i1
        %parallel_loop3A_402 = arith.addi %parallel_loop3A_393, %parallel_loop3A_392 : i32
        %parallel_loop3A_403 = arith.select %parallel_loop3A_401, %parallel_loop3A_402, %parallel_loop3A_393 : i32
        %parallel_loop3A_404 = arith.constant 16 : i32
        %parallel_loop3A_405 = arith.muli %parallel_loop3A_403, %parallel_loop3A_404 : i32
        %parallel_loop3A_406 = arith.index_cast %parallel_loop3A_387 : i32 to index
        %parallel_loop3A_407 = arith.index_cast %parallel_loop3A_405 : i32 to index
        %parallel_loop3A_408 = tpu.vector_load %arg7[%parallel_loop3A_406, %parallel_loop3A_407] {strides = array<i32>} : memref<8x1024xf32, #tpu.memory_space<vmem>>, vector<1x16xf32>,
        %parallel_loop3A_409 = vector.shape_cast %parallel_loop3A_408 : vector<1x16xf32> to vector<16xf32>
        %parallel_loop3A_410 = arith.constant 3.125000e-02 : f32
        %parallel_loop3A_411 = vector.broadcast %parallel_loop3A_410 : f32 to vector<16xf32>
        %parallel_loop3A_412 = arith.mulf %parallel_loop3A_409, %parallel_loop3A_411 : vector<16xf32>
        %parallel_loop3A_413 = arith.index_cast %parallel_loop3A_387 : i32 to index
        %parallel_loop3A_414 = arith.index_cast %parallel_loop3A_405 : i32 to index
        %parallel_loop3A_415 = tpu.vector_load %arg7[%parallel_loop3A_413, %parallel_loop3A_414] {strides = array<i32>} : memref<8x1024xf32, #tpu.memory_space<vmem>>, vector<1x16xf32>,
        %parallel_loop3A_416 = vector.shape_cast %parallel_loop3A_415 : vector<1x16xf32> to vector<16xf32>
        %parallel_loop3A_417 = vector.shape_cast %parallel_loop3A_412 : vector<16xf32> to vector<1x16xf32>
        tpu.vector_store %arg7[%parallel_loop3A_413, %parallel_loop3A_414], %parallel_loop3A_417 {strides = array<i32>} : memref<8x1024xf32, #tpu.memory_space<vmem>>, vector<1x16xf32>,
      } {sc.loop_unroll_factor = 8 : i64, sc.parallel_access}
      %mul3A_224 = arith.constant 8 : i32
      %mul3A_225 = arith.muli %add3A_201, %mul3A_224 : i32
      %add3A_226 = arith.addi %mul3A_2, %mul3A_225 : i32
      %dma_start3A_227 = arith.constant 0 : i32
      %dma_start3A_228 = tpu.memref_slice %arg3[%add3A_226, %dma_start3A_227] : memref<8192x1024xf32, #tpu.memory_space<hbm>> -> memref<8x1024xf32, #tpu.memory_space<hbm>>
      %dma_start3A_229 = arith.constant 0 : i32
      %dma_start3A_230 = tpu.memref_slice %arg3[%add3A_226, %dma_start3A_229] : memref<8192x1024xf32, #tpu.memory_space<hbm>> -> memref<8x1024xf32, #tpu.memory_space<hbm>>
      tpu.enqueue_dma source(%arg7 : memref<8x1024xf32, #tpu.memory_space<vmem>>) target(%dma_start3A_230 : memref<8x1024xf32, #tpu.memory_space<hbm>>) target_semaphore(%arg23 : memref<!tpu.dma_semaphore, #tpu.memory_space<semaphore_mem>>)
      %mul3A_231 = arith.constant 8 : i32
      %mul3A_232 = arith.muli %add3A_105, %mul3A_231 : i32
      %add3A_233 = arith.constant 4 : i32
      %add3A_234 = arith.addi %mul3A_232, %add3A_233 : i32
      %sub3A_235 = arith.constant 1 : i32
      %sub3A_236 = arith.subi %add3A_234, %sub3A_235 : i32
      %ge3A_237 = arith.constant 0 : i32
      %ge3A_238 = arith.cmpi sge, %sub3A_236, %ge3A_237 : i32
      %add3A_239 = arith.constant 8 : i32
      %add3A_240 = arith.addi %sub3A_236, %add3A_239 : i32
      %lt3A_241 = arith.constant 32 : i32
      %lt3A_242 = arith.cmpi slt, %add3A_240, %lt3A_241 : i32
      %and3A_243 = arith.andi %ge3A_238, %lt3A_242 : i1
      %convert_element_type3A_244 = arith.extui %and3A_243 : i1 to i32
      %cond3A_245 = arith.constant 0 : i32
      %cond3A_246 = arith.cmpi ne, %convert_element_type3A_244, %cond3A_245 : i32
      scf.if %cond3A_246 {
        %mul3A_363 = arith.constant 8 : i32
        %mul3A_364 = arith.muli %sub3A_236, %mul3A_363 : i32
        %add3A_365 = arith.addi %mul3A_2, %mul3A_364 : i32
        %dma_wait3A_366 = arith.constant 0 : i32
        %dma_wait3A_367 = tpu.memref_slice %arg3[%add3A_365, %dma_wait3A_366] : memref<8192x1024xf32, #tpu.memory_space<hbm>> -> memref<8x1024xf32, #tpu.memory_space<hbm>>
        %dma_wait3A_368 = arith.constant 0 : i32
        %dma_wait3A_369 = tpu.memref_slice %arg3[%add3A_365, %dma_wait3A_368] : memref<8192x1024xf32, #tpu.memory_space<hbm>> -> memref<8x1024xf32, #tpu.memory_space<hbm>>
        tpu.wait_dma2 semaphore(%arg23 : memref<!tpu.dma_semaphore, #tpu.memory_space<semaphore_mem>>) src(%arg7 : memref<8x1024xf32, #tpu.memory_space<vmem>>) dst(%dma_wait3A_369 : memref<8x1024xf32, #tpu.memory_space<hbm>>)
        %add3A_370 = arith.constant 8 : i32
        %add3A_371 = arith.addi %sub3A_236, %add3A_370 : i32
        %mul3A_372 = arith.constant 8 : i32
        %mul3A_373 = arith.muli %add3A_371, %mul3A_372 : i32
        %add3A_374 = arith.addi %mul3A_2, %mul3A_373 : i32
        %dma_start3A_375 = arith.constant 0 : i32
        %dma_start3A_376 = tpu.memref_slice %arg2[%add3A_374, %dma_start3A_375] : memref<8192x1024xf32, #tpu.memory_space<hbm>> -> memref<8x1024xf32, #tpu.memory_space<hbm>>
        %dma_start3A_377 = arith.constant 0 : i32
        %dma_start3A_378 = tpu.memref_slice %arg2[%add3A_374, %dma_start3A_377] : memref<8192x1024xf32, #tpu.memory_space<hbm>> -> memref<8x1024xf32, #tpu.memory_space<hbm>>
        tpu.enqueue_dma source(%dma_start3A_378 : memref<8x1024xf32, #tpu.memory_space<hbm>>) target(%arg7 : memref<8x1024xf32, #tpu.memory_space<vmem>>) target_semaphore(%arg15 : memref<!tpu.dma_semaphore, #tpu.memory_space<semaphore_mem>>)
      } else {
      }
      %mul3A_247 = arith.constant 8 : i32
      %mul3A_248 = arith.muli %add3A_234, %mul3A_247 : i32
      %add3A_249 = arith.addi %mul3A_2, %mul3A_248 : i32
      %dma_wait3A_250 = arith.constant 0 : i32
      %dma_wait3A_251 = tpu.memref_slice %arg2[%add3A_249, %dma_wait3A_250] : memref<8192x1024xf32, #tpu.memory_space<hbm>> -> memref<8x1024xf32, #tpu.memory_space<hbm>>
      %dma_wait3A_252 = arith.constant 0 : i32
      %dma_wait3A_253 = tpu.memref_slice %arg2[%add3A_249, %dma_wait3A_252] : memref<8192x1024xf32, #tpu.memory_space<hbm>> -> memref<8x1024xf32, #tpu.memory_space<hbm>>
      tpu.wait_dma2 semaphore(%arg16 : memref<!tpu.dma_semaphore, #tpu.memory_space<semaphore_mem>>) src(%dma_wait3A_253 : memref<8x1024xf32, #tpu.memory_space<hbm>>) dst(%arg8 : memref<8x1024xf32, #tpu.memory_space<vmem>>)
      %parallel_loop3A_254 = arith.constant 0 : i32
      %parallel_loop3A_255 = arith.constant 512 : i32
      %parallel_loop3A_256 = arith.constant 1 : i32
      scf.for %parallel_loop3A_363 = %parallel_loop3A_254 to %parallel_loop3A_255 step %parallel_loop3A_256  : i32 {
        %parallel_loop3A_364 = arith.constant 64 : i32
        %parallel_loop3A_365 = arith.divsi %parallel_loop3A_363, %parallel_loop3A_364 : i32
        %parallel_loop3A_366 = arith.constant 0 : i32
        %parallel_loop3A_367 = arith.cmpi sgt, %parallel_loop3A_363, %parallel_loop3A_366 : i32
        %parallel_loop3A_368 = arith.extui %parallel_loop3A_367 : i1 to i32
        %parallel_loop3A_369 = arith.constant 0 : i32
        %parallel_loop3A_370 = arith.cmpi slt, %parallel_loop3A_363, %parallel_loop3A_369 : i32
        %parallel_loop3A_371 = arith.extui %parallel_loop3A_370 : i1 to i32
        %parallel_loop3A_372 = arith.subi %parallel_loop3A_368, %parallel_loop3A_371 : i32
        %parallel_loop3A_373 = arith.constant 0 : i32
        %parallel_loop3A_374 = arith.cmpi sgt, %parallel_loop3A_364, %parallel_loop3A_373 : i32
        %parallel_loop3A_375 = arith.extui %parallel_loop3A_374 : i1 to i32
        %parallel_loop3A_376 = arith.constant 0 : i32
        %parallel_loop3A_377 = arith.cmpi slt, %parallel_loop3A_364, %parallel_loop3A_376 : i32
        %parallel_loop3A_378 = arith.extui %parallel_loop3A_377 : i1 to i32
        %parallel_loop3A_379 = arith.subi %parallel_loop3A_375, %parallel_loop3A_378 : i32
        %parallel_loop3A_380 = arith.cmpi ne, %parallel_loop3A_372, %parallel_loop3A_379 : i32
        %parallel_loop3A_381 = arith.remsi %parallel_loop3A_363, %parallel_loop3A_364 : i32
        %parallel_loop3A_382 = arith.constant 0 : i32
        %parallel_loop3A_383 = arith.cmpi ne, %parallel_loop3A_381, %parallel_loop3A_382 : i32
        %parallel_loop3A_384 = arith.andi %parallel_loop3A_380, %parallel_loop3A_383 : i1
        %parallel_loop3A_385 = arith.constant 1 : i32
        %parallel_loop3A_386 = arith.subi %parallel_loop3A_365, %parallel_loop3A_385 : i32
        %parallel_loop3A_387 = arith.select %parallel_loop3A_384, %parallel_loop3A_386, %parallel_loop3A_365 : i32
        %parallel_loop3A_388 = arith.constant 64 : i32
        %parallel_loop3A_389 = arith.constant 0 : i32
        %parallel_loop3A_390 = arith.cmpi eq, %parallel_loop3A_388, %parallel_loop3A_389 : i32
        %parallel_loop3A_391 = arith.constant 1 : i32
        %parallel_loop3A_392 = arith.select %parallel_loop3A_390, %parallel_loop3A_391, %parallel_loop3A_388 : i32
        %parallel_loop3A_393 = arith.remsi %parallel_loop3A_363, %parallel_loop3A_392 : i32
        %parallel_loop3A_394 = arith.constant 0 : i32
        %parallel_loop3A_395 = arith.cmpi ne, %parallel_loop3A_393, %parallel_loop3A_394 : i32
        %parallel_loop3A_396 = arith.constant 0 : i32
        %parallel_loop3A_397 = arith.cmpi slt, %parallel_loop3A_393, %parallel_loop3A_396 : i32
        %parallel_loop3A_398 = arith.constant 0 : i32
        %parallel_loop3A_399 = arith.cmpi slt, %parallel_loop3A_392, %parallel_loop3A_398 : i32
        %parallel_loop3A_400 = arith.xori %parallel_loop3A_397, %parallel_loop3A_399 : i1
        %parallel_loop3A_401 = arith.andi %parallel_loop3A_400, %parallel_loop3A_395 : i1
        %parallel_loop3A_402 = arith.addi %parallel_loop3A_393, %parallel_loop3A_392 : i32
        %parallel_loop3A_403 = arith.select %parallel_loop3A_401, %parallel_loop3A_402, %parallel_loop3A_393 : i32
        %parallel_loop3A_404 = arith.constant 16 : i32
        %parallel_loop3A_405 = arith.muli %parallel_loop3A_403, %parallel_loop3A_404 : i32
        %parallel_loop3A_406 = arith.index_cast %parallel_loop3A_387 : i32 to index
        %parallel_loop3A_407 = arith.index_cast %parallel_loop3A_405 : i32 to index
        %parallel_loop3A_408 = tpu.vector_load %arg8[%parallel_loop3A_406, %parallel_loop3A_407] {strides = array<i32>} : memref<8x1024xf32, #tpu.memory_space<vmem>>, vector<1x16xf32>,
        %parallel_loop3A_409 = vector.shape_cast %parallel_loop3A_408 : vector<1x16xf32> to vector<16xf32>
        %parallel_loop3A_410 = arith.constant 3.125000e-02 : f32
        %parallel_loop3A_411 = vector.broadcast %parallel_loop3A_410 : f32 to vector<16xf32>
        %parallel_loop3A_412 = arith.mulf %parallel_loop3A_409, %parallel_loop3A_411 : vector<16xf32>
        %parallel_loop3A_413 = arith.index_cast %parallel_loop3A_387 : i32 to index
        %parallel_loop3A_414 = arith.index_cast %parallel_loop3A_405 : i32 to index
        %parallel_loop3A_415 = tpu.vector_load %arg8[%parallel_loop3A_413, %parallel_loop3A_414] {strides = array<i32>} : memref<8x1024xf32, #tpu.memory_space<vmem>>, vector<1x16xf32>,
        %parallel_loop3A_416 = vector.shape_cast %parallel_loop3A_415 : vector<1x16xf32> to vector<16xf32>
        %parallel_loop3A_417 = vector.shape_cast %parallel_loop3A_412 : vector<16xf32> to vector<1x16xf32>
        tpu.vector_store %arg8[%parallel_loop3A_413, %parallel_loop3A_414], %parallel_loop3A_417 {strides = array<i32>} : memref<8x1024xf32, #tpu.memory_space<vmem>>, vector<1x16xf32>,
      } {sc.loop_unroll_factor = 8 : i64, sc.parallel_access}
      %mul3A_257 = arith.constant 8 : i32
      %mul3A_258 = arith.muli %add3A_234, %mul3A_257 : i32
      %add3A_259 = arith.addi %mul3A_2, %mul3A_258 : i32
      %dma_start3A_260 = arith.constant 0 : i32
      %dma_start3A_261 = tpu.memref_slice %arg3[%add3A_259, %dma_start3A_260] : memref<8192x1024xf32, #tpu.memory_space<hbm>> -> memref<8x1024xf32, #tpu.memory_space<hbm>>
      %dma_start3A_262 = arith.constant 0 : i32
      %dma_start3A_263 = tpu.memref_slice %arg3[%add3A_259, %dma_start3A_262] : memref<8192x1024xf32, #tpu.memory_space<hbm>> -> memref<8x1024xf32, #tpu.memory_space<hbm>>
      tpu.enqueue_dma source(%arg8 : memref<8x1024xf32, #tpu.memory_space<vmem>>) target(%dma_start3A_263 : memref<8x1024xf32, #tpu.memory_space<hbm>>) target_semaphore(%arg24 : memref<!tpu.dma_semaphore, #tpu.memory_space<semaphore_mem>>)
      %mul3A_264 = arith.constant 8 : i32
      %mul3A_265 = arith.muli %add3A_105, %mul3A_264 : i32
      %add3A_266 = arith.constant 5 : i32
      %add3A_267 = arith.addi %mul3A_265, %add3A_266 : i32
      %sub3A_268 = arith.constant 1 : i32
      %sub3A_269 = arith.subi %add3A_267, %sub3A_268 : i32
      %ge3A_270 = arith.constant 0 : i32
      %ge3A_271 = arith.cmpi sge, %sub3A_269, %ge3A_270 : i32
      %add3A_272 = arith.constant 8 : i32
      %add3A_273 = arith.addi %sub3A_269, %add3A_272 : i32
      %lt3A_274 = arith.constant 32 : i32
      %lt3A_275 = arith.cmpi slt, %add3A_273, %lt3A_274 : i32
      %and3A_276 = arith.andi %ge3A_271, %lt3A_275 : i1
      %convert_element_type3A_277 = arith.extui %and3A_276 : i1 to i32
      %cond3A_278 = arith.constant 0 : i32
      %cond3A_279 = arith.cmpi ne, %convert_element_type3A_277, %cond3A_278 : i32
      scf.if %cond3A_279 {
        %mul3A_363 = arith.constant 8 : i32
        %mul3A_364 = arith.muli %sub3A_269, %mul3A_363 : i32
        %add3A_365 = arith.addi %mul3A_2, %mul3A_364 : i32
        %dma_wait3A_366 = arith.constant 0 : i32
        %dma_wait3A_367 = tpu.memref_slice %arg3[%add3A_365, %dma_wait3A_366] : memref<8192x1024xf32, #tpu.memory_space<hbm>> -> memref<8x1024xf32, #tpu.memory_space<hbm>>
        %dma_wait3A_368 = arith.constant 0 : i32
        %dma_wait3A_369 = tpu.memref_slice %arg3[%add3A_365, %dma_wait3A_368] : memref<8192x1024xf32, #tpu.memory_space<hbm>> -> memref<8x1024xf32, #tpu.memory_space<hbm>>
        tpu.wait_dma2 semaphore(%arg24 : memref<!tpu.dma_semaphore, #tpu.memory_space<semaphore_mem>>) src(%arg8 : memref<8x1024xf32, #tpu.memory_space<vmem>>) dst(%dma_wait3A_369 : memref<8x1024xf32, #tpu.memory_space<hbm>>)
        %add3A_370 = arith.constant 8 : i32
        %add3A_371 = arith.addi %sub3A_269, %add3A_370 : i32
        %mul3A_372 = arith.constant 8 : i32
        %mul3A_373 = arith.muli %add3A_371, %mul3A_372 : i32
        %add3A_374 = arith.addi %mul3A_2, %mul3A_373 : i32
        %dma_start3A_375 = arith.constant 0 : i32
        %dma_start3A_376 = tpu.memref_slice %arg2[%add3A_374, %dma_start3A_375] : memref<8192x1024xf32, #tpu.memory_space<hbm>> -> memref<8x1024xf32, #tpu.memory_space<hbm>>
        %dma_start3A_377 = arith.constant 0 : i32
        %dma_start3A_378 = tpu.memref_slice %arg2[%add3A_374, %dma_start3A_377] : memref<8192x1024xf32, #tpu.memory_space<hbm>> -> memref<8x1024xf32, #tpu.memory_space<hbm>>
        tpu.enqueue_dma source(%dma_start3A_378 : memref<8x1024xf32, #tpu.memory_space<hbm>>) target(%arg8 : memref<8x1024xf32, #tpu.memory_space<vmem>>) target_semaphore(%arg16 : memref<!tpu.dma_semaphore, #tpu.memory_space<semaphore_mem>>)
      } else {
      }
      %mul3A_280 = arith.constant 8 : i32
      %mul3A_281 = arith.muli %add3A_267, %mul3A_280 : i32
      %add3A_282 = arith.addi %mul3A_2, %mul3A_281 : i32
      %dma_wait3A_283 = arith.constant 0 : i32
      %dma_wait3A_284 = tpu.memref_slice %arg2[%add3A_282, %dma_wait3A_283] : memref<8192x1024xf32, #tpu.memory_space<hbm>> -> memref<8x1024xf32, #tpu.memory_space<hbm>>
      %dma_wait3A_285 = arith.constant 0 : i32
      %dma_wait3A_286 = tpu.memref_slice %arg2[%add3A_282, %dma_wait3A_285] : memref<8192x1024xf32, #tpu.memory_space<hbm>> -> memref<8x1024xf32, #tpu.memory_space<hbm>>
      tpu.wait_dma2 semaphore(%arg17 : memref<!tpu.dma_semaphore, #tpu.memory_space<semaphore_mem>>) src(%dma_wait3A_286 : memref<8x1024xf32, #tpu.memory_space<hbm>>) dst(%arg9 : memref<8x1024xf32, #tpu.memory_space<vmem>>)
      %parallel_loop3A_287 = arith.constant 0 : i32
      %parallel_loop3A_288 = arith.constant 512 : i32
      %parallel_loop3A_289 = arith.constant 1 : i32
      scf.for %parallel_loop3A_363 = %parallel_loop3A_287 to %parallel_loop3A_288 step %parallel_loop3A_289  : i32 {
        %parallel_loop3A_364 = arith.constant 64 : i32
        %parallel_loop3A_365 = arith.divsi %parallel_loop3A_363, %parallel_loop3A_364 : i32
        %parallel_loop3A_366 = arith.constant 0 : i32
        %parallel_loop3A_367 = arith.cmpi sgt, %parallel_loop3A_363, %parallel_loop3A_366 : i32
        %parallel_loop3A_368 = arith.extui %parallel_loop3A_367 : i1 to i32
        %parallel_loop3A_369 = arith.constant 0 : i32
        %parallel_loop3A_370 = arith.cmpi slt, %parallel_loop3A_363, %parallel_loop3A_369 : i32
        %parallel_loop3A_371 = arith.extui %parallel_loop3A_370 : i1 to i32
        %parallel_loop3A_372 = arith.subi %parallel_loop3A_368, %parallel_loop3A_371 : i32
        %parallel_loop3A_373 = arith.constant 0 : i32
        %parallel_loop3A_374 = arith.cmpi sgt, %parallel_loop3A_364, %parallel_loop3A_373 : i32
        %parallel_loop3A_375 = arith.extui %parallel_loop3A_374 : i1 to i32
        %parallel_loop3A_376 = arith.constant 0 : i32
        %parallel_loop3A_377 = arith.cmpi slt, %parallel_loop3A_364, %parallel_loop3A_376 : i32
        %parallel_loop3A_378 = arith.extui %parallel_loop3A_377 : i1 to i32
        %parallel_loop3A_379 = arith.subi %parallel_loop3A_375, %parallel_loop3A_378 : i32
        %parallel_loop3A_380 = arith.cmpi ne, %parallel_loop3A_372, %parallel_loop3A_379 : i32
        %parallel_loop3A_381 = arith.remsi %parallel_loop3A_363, %parallel_loop3A_364 : i32
        %parallel_loop3A_382 = arith.constant 0 : i32
        %parallel_loop3A_383 = arith.cmpi ne, %parallel_loop3A_381, %parallel_loop3A_382 : i32
        %parallel_loop3A_384 = arith.andi %parallel_loop3A_380, %parallel_loop3A_383 : i1
        %parallel_loop3A_385 = arith.constant 1 : i32
        %parallel_loop3A_386 = arith.subi %parallel_loop3A_365, %parallel_loop3A_385 : i32
        %parallel_loop3A_387 = arith.select %parallel_loop3A_384, %parallel_loop3A_386, %parallel_loop3A_365 : i32
        %parallel_loop3A_388 = arith.constant 64 : i32
        %parallel_loop3A_389 = arith.constant 0 : i32
        %parallel_loop3A_390 = arith.cmpi eq, %parallel_loop3A_388, %parallel_loop3A_389 : i32
        %parallel_loop3A_391 = arith.constant 1 : i32
        %parallel_loop3A_392 = arith.select %parallel_loop3A_390, %parallel_loop3A_391, %parallel_loop3A_388 : i32
        %parallel_loop3A_393 = arith.remsi %parallel_loop3A_363, %parallel_loop3A_392 : i32
        %parallel_loop3A_394 = arith.constant 0 : i32
        %parallel_loop3A_395 = arith.cmpi ne, %parallel_loop3A_393, %parallel_loop3A_394 : i32
        %parallel_loop3A_396 = arith.constant 0 : i32
        %parallel_loop3A_397 = arith.cmpi slt, %parallel_loop3A_393, %parallel_loop3A_396 : i32
        %parallel_loop3A_398 = arith.constant 0 : i32
        %parallel_loop3A_399 = arith.cmpi slt, %parallel_loop3A_392, %parallel_loop3A_398 : i32
        %parallel_loop3A_400 = arith.xori %parallel_loop3A_397, %parallel_loop3A_399 : i1
        %parallel_loop3A_401 = arith.andi %parallel_loop3A_400, %parallel_loop3A_395 : i1
        %parallel_loop3A_402 = arith.addi %parallel_loop3A_393, %parallel_loop3A_392 : i32
        %parallel_loop3A_403 = arith.select %parallel_loop3A_401, %parallel_loop3A_402, %parallel_loop3A_393 : i32
        %parallel_loop3A_404 = arith.constant 16 : i32
        %parallel_loop3A_405 = arith.muli %parallel_loop3A_403, %parallel_loop3A_404 : i32
        %parallel_loop3A_406 = arith.index_cast %parallel_loop3A_387 : i32 to index
        %parallel_loop3A_407 = arith.index_cast %parallel_loop3A_405 : i32 to index
        %parallel_loop3A_408 = tpu.vector_load %arg9[%parallel_loop3A_406, %parallel_loop3A_407] {strides = array<i32>} : memref<8x1024xf32, #tpu.memory_space<vmem>>, vector<1x16xf32>,
        %parallel_loop3A_409 = vector.shape_cast %parallel_loop3A_408 : vector<1x16xf32> to vector<16xf32>
        %parallel_loop3A_410 = arith.constant 3.125000e-02 : f32
        %parallel_loop3A_411 = vector.broadcast %parallel_loop3A_410 : f32 to vector<16xf32>
        %parallel_loop3A_412 = arith.mulf %parallel_loop3A_409, %parallel_loop3A_411 : vector<16xf32>
        %parallel_loop3A_413 = arith.index_cast %parallel_loop3A_387 : i32 to index
        %parallel_loop3A_414 = arith.index_cast %parallel_loop3A_405 : i32 to index
        %parallel_loop3A_415 = tpu.vector_load %arg9[%parallel_loop3A_413, %parallel_loop3A_414] {strides = array<i32>} : memref<8x1024xf32, #tpu.memory_space<vmem>>, vector<1x16xf32>,
        %parallel_loop3A_416 = vector.shape_cast %parallel_loop3A_415 : vector<1x16xf32> to vector<16xf32>
        %parallel_loop3A_417 = vector.shape_cast %parallel_loop3A_412 : vector<16xf32> to vector<1x16xf32>
        tpu.vector_store %arg9[%parallel_loop3A_413, %parallel_loop3A_414], %parallel_loop3A_417 {strides = array<i32>} : memref<8x1024xf32, #tpu.memory_space<vmem>>, vector<1x16xf32>,
      } {sc.loop_unroll_factor = 8 : i64, sc.parallel_access}
      %mul3A_290 = arith.constant 8 : i32
      %mul3A_291 = arith.muli %add3A_267, %mul3A_290 : i32
      %add3A_292 = arith.addi %mul3A_2, %mul3A_291 : i32
      %dma_start3A_293 = arith.constant 0 : i32
      %dma_start3A_294 = tpu.memref_slice %arg3[%add3A_292, %dma_start3A_293] : memref<8192x1024xf32, #tpu.memory_space<hbm>> -> memref<8x1024xf32, #tpu.memory_space<hbm>>
      %dma_start3A_295 = arith.constant 0 : i32
      %dma_start3A_296 = tpu.memref_slice %arg3[%add3A_292, %dma_start3A_295] : memref<8192x1024xf32, #tpu.memory_space<hbm>> -> memref<8x1024xf32, #tpu.memory_space<hbm>>
      tpu.enqueue_dma source(%arg9 : memref<8x1024xf32, #tpu.memory_space<vmem>>) target(%dma_start3A_296 : memref<8x1024xf32, #tpu.memory_space<hbm>>) target_semaphore(%arg25 : memref<!tpu.dma_semaphore, #tpu.memory_space<semaphore_mem>>)
      %mul3A_297 = arith.constant 8 : i32
      %mul3A_298 = arith.muli %add3A_105, %mul3A_297 : i32
      %add3A_299 = arith.constant 6 : i32
      %add3A_300 = arith.addi %mul3A_298, %add3A_299 : i32
      %sub3A_301 = arith.constant 1 : i32
      %sub3A_302 = arith.subi %add3A_300, %sub3A_301 : i32
      %ge3A_303 = arith.constant 0 : i32
      %ge3A_304 = arith.cmpi sge, %sub3A_302, %ge3A_303 : i32
      %add3A_305 = arith.constant 8 : i32
      %add3A_306 = arith.addi %sub3A_302, %add3A_305 : i32
      %lt3A_307 = arith.constant 32 : i32
      %lt3A_308 = arith.cmpi slt, %add3A_306, %lt3A_307 : i32
      %and3A_309 = arith.andi %ge3A_304, %lt3A_308 : i1
      %convert_element_type3A_310 = arith.extui %and3A_309 : i1 to i32
      %cond3A_311 = arith.constant 0 : i32
      %cond3A_312 = arith.cmpi ne, %convert_element_type3A_310, %cond3A_311 : i32
      scf.if %cond3A_312 {
        %mul3A_363 = arith.constant 8 : i32
        %mul3A_364 = arith.muli %sub3A_302, %mul3A_363 : i32
        %add3A_365 = arith.addi %mul3A_2, %mul3A_364 : i32
        %dma_wait3A_366 = arith.constant 0 : i32
        %dma_wait3A_367 = tpu.memref_slice %arg3[%add3A_365, %dma_wait3A_366] : memref<8192x1024xf32, #tpu.memory_space<hbm>> -> memref<8x1024xf32, #tpu.memory_space<hbm>>
        %dma_wait3A_368 = arith.constant 0 : i32
        %dma_wait3A_369 = tpu.memref_slice %arg3[%add3A_365, %dma_wait3A_368] : memref<8192x1024xf32, #tpu.memory_space<hbm>> -> memref<8x1024xf32, #tpu.memory_space<hbm>>
        tpu.wait_dma2 semaphore(%arg25 : memref<!tpu.dma_semaphore, #tpu.memory_space<semaphore_mem>>) src(%arg9 : memref<8x1024xf32, #tpu.memory_space<vmem>>) dst(%dma_wait3A_369 : memref<8x1024xf32, #tpu.memory_space<hbm>>)
        %add3A_370 = arith.constant 8 : i32
        %add3A_371 = arith.addi %sub3A_302, %add3A_370 : i32
        %mul3A_372 = arith.constant 8 : i32
        %mul3A_373 = arith.muli %add3A_371, %mul3A_372 : i32
        %add3A_374 = arith.addi %mul3A_2, %mul3A_373 : i32
        %dma_start3A_375 = arith.constant 0 : i32
        %dma_start3A_376 = tpu.memref_slice %arg2[%add3A_374, %dma_start3A_375] : memref<8192x1024xf32, #tpu.memory_space<hbm>> -> memref<8x1024xf32, #tpu.memory_space<hbm>>
        %dma_start3A_377 = arith.constant 0 : i32
        %dma_start3A_378 = tpu.memref_slice %arg2[%add3A_374, %dma_start3A_377] : memref<8192x1024xf32, #tpu.memory_space<hbm>> -> memref<8x1024xf32, #tpu.memory_space<hbm>>
        tpu.enqueue_dma source(%dma_start3A_378 : memref<8x1024xf32, #tpu.memory_space<hbm>>) target(%arg9 : memref<8x1024xf32, #tpu.memory_space<vmem>>) target_semaphore(%arg17 : memref<!tpu.dma_semaphore, #tpu.memory_space<semaphore_mem>>)
      } else {
      }
      %mul3A_313 = arith.constant 8 : i32
      %mul3A_314 = arith.muli %add3A_300, %mul3A_313 : i32
      %add3A_315 = arith.addi %mul3A_2, %mul3A_314 : i32
      %dma_wait3A_316 = arith.constant 0 : i32
      %dma_wait3A_317 = tpu.memref_slice %arg2[%add3A_315, %dma_wait3A_316] : memref<8192x1024xf32, #tpu.memory_space<hbm>> -> memref<8x1024xf32, #tpu.memory_space<hbm>>
      %dma_wait3A_318 = arith.constant 0 : i32
      %dma_wait3A_319 = tpu.memref_slice %arg2[%add3A_315, %dma_wait3A_318] : memref<8192x1024xf32, #tpu.memory_space<hbm>> -> memref<8x1024xf32, #tpu.memory_space<hbm>>
      tpu.wait_dma2 semaphore(%arg18 : memref<!tpu.dma_semaphore, #tpu.memory_space<semaphore_mem>>) src(%dma_wait3A_319 : memref<8x1024xf32, #tpu.memory_space<hbm>>) dst(%arg10 : memref<8x1024xf32, #tpu.memory_space<vmem>>)
      %parallel_loop3A_320 = arith.constant 0 : i32
      %parallel_loop3A_321 = arith.constant 512 : i32
      %parallel_loop3A_322 = arith.constant 1 : i32
      scf.for %parallel_loop3A_363 = %parallel_loop3A_320 to %parallel_loop3A_321 step %parallel_loop3A_322  : i32 {
        %parallel_loop3A_364 = arith.constant 64 : i32
        %parallel_loop3A_365 = arith.divsi %parallel_loop3A_363, %parallel_loop3A_364 : i32
        %parallel_loop3A_366 = arith.constant 0 : i32
        %parallel_loop3A_367 = arith.cmpi sgt, %parallel_loop3A_363, %parallel_loop3A_366 : i32
        %parallel_loop3A_368 = arith.extui %parallel_loop3A_367 : i1 to i32
        %parallel_loop3A_369 = arith.constant 0 : i32
        %parallel_loop3A_370 = arith.cmpi slt, %parallel_loop3A_363, %parallel_loop3A_369 : i32
        %parallel_loop3A_371 = arith.extui %parallel_loop3A_370 : i1 to i32
        %parallel_loop3A_372 = arith.subi %parallel_loop3A_368, %parallel_loop3A_371 : i32
        %parallel_loop3A_373 = arith.constant 0 : i32
        %parallel_loop3A_374 = arith.cmpi sgt, %parallel_loop3A_364, %parallel_loop3A_373 : i32
        %parallel_loop3A_375 = arith.extui %parallel_loop3A_374 : i1 to i32
        %parallel_loop3A_376 = arith.constant 0 : i32
        %parallel_loop3A_377 = arith.cmpi slt, %parallel_loop3A_364, %parallel_loop3A_376 : i32
        %parallel_loop3A_378 = arith.extui %parallel_loop3A_377 : i1 to i32
        %parallel_loop3A_379 = arith.subi %parallel_loop3A_375, %parallel_loop3A_378 : i32
        %parallel_loop3A_380 = arith.cmpi ne, %parallel_loop3A_372, %parallel_loop3A_379 : i32
        %parallel_loop3A_381 = arith.remsi %parallel_loop3A_363, %parallel_loop3A_364 : i32
        %parallel_loop3A_382 = arith.constant 0 : i32
        %parallel_loop3A_383 = arith.cmpi ne, %parallel_loop3A_381, %parallel_loop3A_382 : i32
        %parallel_loop3A_384 = arith.andi %parallel_loop3A_380, %parallel_loop3A_383 : i1
        %parallel_loop3A_385 = arith.constant 1 : i32
        %parallel_loop3A_386 = arith.subi %parallel_loop3A_365, %parallel_loop3A_385 : i32
        %parallel_loop3A_387 = arith.select %parallel_loop3A_384, %parallel_loop3A_386, %parallel_loop3A_365 : i32
        %parallel_loop3A_388 = arith.constant 64 : i32
        %parallel_loop3A_389 = arith.constant 0 : i32
        %parallel_loop3A_390 = arith.cmpi eq, %parallel_loop3A_388, %parallel_loop3A_389 : i32
        %parallel_loop3A_391 = arith.constant 1 : i32
        %parallel_loop3A_392 = arith.select %parallel_loop3A_390, %parallel_loop3A_391, %parallel_loop3A_388 : i32
        %parallel_loop3A_393 = arith.remsi %parallel_loop3A_363, %parallel_loop3A_392 : i32
        %parallel_loop3A_394 = arith.constant 0 : i32
        %parallel_loop3A_395 = arith.cmpi ne, %parallel_loop3A_393, %parallel_loop3A_394 : i32
        %parallel_loop3A_396 = arith.constant 0 : i32
        %parallel_loop3A_397 = arith.cmpi slt, %parallel_loop3A_393, %parallel_loop3A_396 : i32
        %parallel_loop3A_398 = arith.constant 0 : i32
        %parallel_loop3A_399 = arith.cmpi slt, %parallel_loop3A_392, %parallel_loop3A_398 : i32
        %parallel_loop3A_400 = arith.xori %parallel_loop3A_397, %parallel_loop3A_399 : i1
        %parallel_loop3A_401 = arith.andi %parallel_loop3A_400, %parallel_loop3A_395 : i1
        %parallel_loop3A_402 = arith.addi %parallel_loop3A_393, %parallel_loop3A_392 : i32
        %parallel_loop3A_403 = arith.select %parallel_loop3A_401, %parallel_loop3A_402, %parallel_loop3A_393 : i32
        %parallel_loop3A_404 = arith.constant 16 : i32
        %parallel_loop3A_405 = arith.muli %parallel_loop3A_403, %parallel_loop3A_404 : i32
        %parallel_loop3A_406 = arith.index_cast %parallel_loop3A_387 : i32 to index
        %parallel_loop3A_407 = arith.index_cast %parallel_loop3A_405 : i32 to index
        %parallel_loop3A_408 = tpu.vector_load %arg10[%parallel_loop3A_406, %parallel_loop3A_407] {strides = array<i32>} : memref<8x1024xf32, #tpu.memory_space<vmem>>, vector<1x16xf32>,
        %parallel_loop3A_409 = vector.shape_cast %parallel_loop3A_408 : vector<1x16xf32> to vector<16xf32>
        %parallel_loop3A_410 = arith.constant 3.125000e-02 : f32
        %parallel_loop3A_411 = vector.broadcast %parallel_loop3A_410 : f32 to vector<16xf32>
        %parallel_loop3A_412 = arith.mulf %parallel_loop3A_409, %parallel_loop3A_411 : vector<16xf32>
        %parallel_loop3A_413 = arith.index_cast %parallel_loop3A_387 : i32 to index
        %parallel_loop3A_414 = arith.index_cast %parallel_loop3A_405 : i32 to index
        %parallel_loop3A_415 = tpu.vector_load %arg10[%parallel_loop3A_413, %parallel_loop3A_414] {strides = array<i32>} : memref<8x1024xf32, #tpu.memory_space<vmem>>, vector<1x16xf32>,
        %parallel_loop3A_416 = vector.shape_cast %parallel_loop3A_415 : vector<1x16xf32> to vector<16xf32>
        %parallel_loop3A_417 = vector.shape_cast %parallel_loop3A_412 : vector<16xf32> to vector<1x16xf32>
        tpu.vector_store %arg10[%parallel_loop3A_413, %parallel_loop3A_414], %parallel_loop3A_417 {strides = array<i32>} : memref<8x1024xf32, #tpu.memory_space<vmem>>, vector<1x16xf32>,
      } {sc.loop_unroll_factor = 8 : i64, sc.parallel_access}
      %mul3A_323 = arith.constant 8 : i32
      %mul3A_324 = arith.muli %add3A_300, %mul3A_323 : i32
      %add3A_325 = arith.addi %mul3A_2, %mul3A_324 : i32
      %dma_start3A_326 = arith.constant 0 : i32
      %dma_start3A_327 = tpu.memref_slice %arg3[%add3A_325, %dma_start3A_326] : memref<8192x1024xf32, #tpu.memory_space<hbm>> -> memref<8x1024xf32, #tpu.memory_space<hbm>>
      %dma_start3A_328 = arith.constant 0 : i32
      %dma_start3A_329 = tpu.memref_slice %arg3[%add3A_325, %dma_start3A_328] : memref<8192x1024xf32, #tpu.memory_space<hbm>> -> memref<8x1024xf32, #tpu.memory_space<hbm>>
      tpu.enqueue_dma source(%arg10 : memref<8x1024xf32, #tpu.memory_space<vmem>>) target(%dma_start3A_329 : memref<8x1024xf32, #tpu.memory_space<hbm>>) target_semaphore(%arg26 : memref<!tpu.dma_semaphore, #tpu.memory_space<semaphore_mem>>)
      %mul3A_330 = arith.constant 8 : i32
      %mul3A_331 = arith.muli %add3A_105, %mul3A_330 : i32
      %add3A_332 = arith.constant 7 : i32
      %add3A_333 = arith.addi %mul3A_331, %add3A_332 : i32
      %sub3A_334 = arith.constant 1 : i32
      %sub3A_335 = arith.subi %add3A_333, %sub3A_334 : i32
      %ge3A_336 = arith.constant 0 : i32
      %ge3A_337 = arith.cmpi sge, %sub3A_335, %ge3A_336 : i32
      %add3A_338 = arith.constant 8 : i32
      %add3A_339 = arith.addi %sub3A_335, %add3A_338 : i32
      %lt3A_340 = arith.constant 32 : i32
      %lt3A_341 = arith.cmpi slt, %add3A_339, %lt3A_340 : i32
      %and3A_342 = arith.andi %ge3A_337, %lt3A_341 : i1
      %convert_element_type3A_343 = arith.extui %and3A_342 : i1 to i32
      %cond3A_344 = arith.constant 0 : i32
      %cond3A_345 = arith.cmpi ne, %convert_element_type3A_343, %cond3A_344 : i32
      scf.if %cond3A_345 {
        %mul3A_363 = arith.constant 8 : i32
        %mul3A_364 = arith.muli %sub3A_335, %mul3A_363 : i32
        %add3A_365 = arith.addi %mul3A_2, %mul3A_364 : i32
        %dma_wait3A_366 = arith.constant 0 : i32
        %dma_wait3A_367 = tpu.memref_slice %arg3[%add3A_365, %dma_wait3A_366] : memref<8192x1024xf32, #tpu.memory_space<hbm>> -> memref<8x1024xf32, #tpu.memory_space<hbm>>
        %dma_wait3A_368 = arith.constant 0 : i32
        %dma_wait3A_369 = tpu.memref_slice %arg3[%add3A_365, %dma_wait3A_368] : memref<8192x1024xf32, #tpu.memory_space<hbm>> -> memref<8x1024xf32, #tpu.memory_space<hbm>>
        tpu.wait_dma2 semaphore(%arg26 : memref<!tpu.dma_semaphore, #tpu.memory_space<semaphore_mem>>) src(%arg10 : memref<8x1024xf32, #tpu.memory_space<vmem>>) dst(%dma_wait3A_369 : memref<8x1024xf32, #tpu.memory_space<hbm>>)
        %add3A_370 = arith.constant 8 : i32
        %add3A_371 = arith.addi %sub3A_335, %add3A_370 : i32
        %mul3A_372 = arith.constant 8 : i32
        %mul3A_373 = arith.muli %add3A_371, %mul3A_372 : i32
        %add3A_374 = arith.addi %mul3A_2, %mul3A_373 : i32
        %dma_start3A_375 = arith.constant 0 : i32
        %dma_start3A_376 = tpu.memref_slice %arg2[%add3A_374, %dma_start3A_375] : memref<8192x1024xf32, #tpu.memory_space<hbm>> -> memref<8x1024xf32, #tpu.memory_space<hbm>>
        %dma_start3A_377 = arith.constant 0 : i32
        %dma_start3A_378 = tpu.memref_slice %arg2[%add3A_374, %dma_start3A_377] : memref<8192x1024xf32, #tpu.memory_space<hbm>> -> memref<8x1024xf32, #tpu.memory_space<hbm>>
        tpu.enqueue_dma source(%dma_start3A_378 : memref<8x1024xf32, #tpu.memory_space<hbm>>) target(%arg10 : memref<8x1024xf32, #tpu.memory_space<vmem>>) target_semaphore(%arg18 : memref<!tpu.dma_semaphore, #tpu.memory_space<semaphore_mem>>)
      } else {
      }
      %mul3A_346 = arith.constant 8 : i32
      %mul3A_347 = arith.muli %add3A_333, %mul3A_346 : i32
      %add3A_348 = arith.addi %mul3A_2, %mul3A_347 : i32
      %dma_wait3A_349 = arith.constant 0 : i32
      %dma_wait3A_350 = tpu.memref_slice %arg2[%add3A_348, %dma_wait3A_349] : memref<8192x1024xf32, #tpu.memory_space<hbm>> -> memref<8x1024xf32, #tpu.memory_space<hbm>>
      %dma_wait3A_351 = arith.constant 0 : i32
      %dma_wait3A_352 = tpu.memref_slice %arg2[%add3A_348, %dma_wait3A_351] : memref<8192x1024xf32, #tpu.memory_space<hbm>> -> memref<8x1024xf32, #tpu.memory_space<hbm>>
      tpu.wait_dma2 semaphore(%arg19 : memref<!tpu.dma_semaphore, #tpu.memory_space<semaphore_mem>>) src(%dma_wait3A_352 : memref<8x1024xf32, #tpu.memory_space<hbm>>) dst(%arg11 : memref<8x1024xf32, #tpu.memory_space<vmem>>)
      %parallel_loop3A_353 = arith.constant 0 : i32
      %parallel_loop3A_354 = arith.constant 512 : i32
      %parallel_loop3A_355 = arith.constant 1 : i32
      scf.for %parallel_loop3A_363 = %parallel_loop3A_353 to %parallel_loop3A_354 step %parallel_loop3A_355  : i32 {
        %parallel_loop3A_364 = arith.constant 64 : i32
        %parallel_loop3A_365 = arith.divsi %parallel_loop3A_363, %parallel_loop3A_364 : i32
        %parallel_loop3A_366 = arith.constant 0 : i32
        %parallel_loop3A_367 = arith.cmpi sgt, %parallel_loop3A_363, %parallel_loop3A_366 : i32
        %parallel_loop3A_368 = arith.extui %parallel_loop3A_367 : i1 to i32
        %parallel_loop3A_369 = arith.constant 0 : i32
        %parallel_loop3A_370 = arith.cmpi slt, %parallel_loop3A_363, %parallel_loop3A_369 : i32
        %parallel_loop3A_371 = arith.extui %parallel_loop3A_370 : i1 to i32
        %parallel_loop3A_372 = arith.subi %parallel_loop3A_368, %parallel_loop3A_371 : i32
        %parallel_loop3A_373 = arith.constant 0 : i32
        %parallel_loop3A_374 = arith.cmpi sgt, %parallel_loop3A_364, %parallel_loop3A_373 : i32
        %parallel_loop3A_375 = arith.extui %parallel_loop3A_374 : i1 to i32
        %parallel_loop3A_376 = arith.constant 0 : i32
        %parallel_loop3A_377 = arith.cmpi slt, %parallel_loop3A_364, %parallel_loop3A_376 : i32
        %parallel_loop3A_378 = arith.extui %parallel_loop3A_377 : i1 to i32
        %parallel_loop3A_379 = arith.subi %parallel_loop3A_375, %parallel_loop3A_378 : i32
        %parallel_loop3A_380 = arith.cmpi ne, %parallel_loop3A_372, %parallel_loop3A_379 : i32
        %parallel_loop3A_381 = arith.remsi %parallel_loop3A_363, %parallel_loop3A_364 : i32
        %parallel_loop3A_382 = arith.constant 0 : i32
        %parallel_loop3A_383 = arith.cmpi ne, %parallel_loop3A_381, %parallel_loop3A_382 : i32
        %parallel_loop3A_384 = arith.andi %parallel_loop3A_380, %parallel_loop3A_383 : i1
        %parallel_loop3A_385 = arith.constant 1 : i32
        %parallel_loop3A_386 = arith.subi %parallel_loop3A_365, %parallel_loop3A_385 : i32
        %parallel_loop3A_387 = arith.select %parallel_loop3A_384, %parallel_loop3A_386, %parallel_loop3A_365 : i32
        %parallel_loop3A_388 = arith.constant 64 : i32
        %parallel_loop3A_389 = arith.constant 0 : i32
        %parallel_loop3A_390 = arith.cmpi eq, %parallel_loop3A_388, %parallel_loop3A_389 : i32
        %parallel_loop3A_391 = arith.constant 1 : i32
        %parallel_loop3A_392 = arith.select %parallel_loop3A_390, %parallel_loop3A_391, %parallel_loop3A_388 : i32
        %parallel_loop3A_393 = arith.remsi %parallel_loop3A_363, %parallel_loop3A_392 : i32
        %parallel_loop3A_394 = arith.constant 0 : i32
        %parallel_loop3A_395 = arith.cmpi ne, %parallel_loop3A_393, %parallel_loop3A_394 : i32
        %parallel_loop3A_396 = arith.constant 0 : i32
        %parallel_loop3A_397 = arith.cmpi slt, %parallel_loop3A_393, %parallel_loop3A_396 : i32
        %parallel_loop3A_398 = arith.constant 0 : i32
        %parallel_loop3A_399 = arith.cmpi slt, %parallel_loop3A_392, %parallel_loop3A_398 : i32
        %parallel_loop3A_400 = arith.xori %parallel_loop3A_397, %parallel_loop3A_399 : i1
        %parallel_loop3A_401 = arith.andi %parallel_loop3A_400, %parallel_loop3A_395 : i1
        %parallel_loop3A_402 = arith.addi %parallel_loop3A_393, %parallel_loop3A_392 : i32
        %parallel_loop3A_403 = arith.select %parallel_loop3A_401, %parallel_loop3A_402, %parallel_loop3A_393 : i32
        %parallel_loop3A_404 = arith.constant 16 : i32
        %parallel_loop3A_405 = arith.muli %parallel_loop3A_403, %parallel_loop3A_404 : i32
        %parallel_loop3A_406 = arith.index_cast %parallel_loop3A_387 : i32 to index
        %parallel_loop3A_407 = arith.index_cast %parallel_loop3A_405 : i32 to index
        %parallel_loop3A_408 = tpu.vector_load %arg11[%parallel_loop3A_406, %parallel_loop3A_407] {strides = array<i32>} : memref<8x1024xf32, #tpu.memory_space<vmem>>, vector<1x16xf32>,
        %parallel_loop3A_409 = vector.shape_cast %parallel_loop3A_408 : vector<1x16xf32> to vector<16xf32>
        %parallel_loop3A_410 = arith.constant 3.125000e-02 : f32
        %parallel_loop3A_411 = vector.broadcast %parallel_loop3A_410 : f32 to vector<16xf32>
        %parallel_loop3A_412 = arith.mulf %parallel_loop3A_409, %parallel_loop3A_411 : vector<16xf32>
        %parallel_loop3A_413 = arith.index_cast %parallel_loop3A_387 : i32 to index
        %parallel_loop3A_414 = arith.index_cast %parallel_loop3A_405 : i32 to index
        %parallel_loop3A_415 = tpu.vector_load %arg11[%parallel_loop3A_413, %parallel_loop3A_414] {strides = array<i32>} : memref<8x1024xf32, #tpu.memory_space<vmem>>, vector<1x16xf32>,
        %parallel_loop3A_416 = vector.shape_cast %parallel_loop3A_415 : vector<1x16xf32> to vector<16xf32>
        %parallel_loop3A_417 = vector.shape_cast %parallel_loop3A_412 : vector<16xf32> to vector<1x16xf32>
        tpu.vector_store %arg11[%parallel_loop3A_413, %parallel_loop3A_414], %parallel_loop3A_417 {strides = array<i32>} : memref<8x1024xf32, #tpu.memory_space<vmem>>, vector<1x16xf32>,
      } {sc.loop_unroll_factor = 8 : i64, sc.parallel_access}
      %mul3A_356 = arith.constant 8 : i32
      %mul3A_357 = arith.muli %add3A_333, %mul3A_356 : i32
      %add3A_358 = arith.addi %mul3A_2, %mul3A_357 : i32
      %dma_start3A_359 = arith.constant 0 : i32
      %dma_start3A_360 = tpu.memref_slice %arg3[%add3A_358, %dma_start3A_359] : memref<8192x1024xf32, #tpu.memory_space<hbm>> -> memref<8x1024xf32, #tpu.memory_space<hbm>>
      %dma_start3A_361 = arith.constant 0 : i32
      %dma_start3A_362 = tpu.memref_slice %arg3[%add3A_358, %dma_start3A_361] : memref<8192x1024xf32, #tpu.memory_space<hbm>> -> memref<8x1024xf32, #tpu.memory_space<hbm>>
      tpu.enqueue_dma source(%arg11 : memref<8x1024xf32, #tpu.memory_space<vmem>>) target(%dma_start3A_362 : memref<8x1024xf32, #tpu.memory_space<hbm>>) target_semaphore(%arg27 : memref<!tpu.dma_semaphore, #tpu.memory_space<semaphore_mem>>)
    }
    %scan3A_53 = arith.constant 4 : i32
    %add3A_54 = arith.constant 192 : i32
    %add3A_55 = arith.addi %mul3A_2, %add3A_54 : i32
    %dma_wait3A = arith.constant 0 : i32
    %dma_wait3A_56 = tpu.memref_slice %arg3[%add3A_55, %dma_wait3A] : memref<8192x1024xf32, #tpu.memory_space<hbm>> -> memref<8x1024xf32, #tpu.memory_space<hbm>>
    %dma_wait3A_57 = arith.constant 0 : i32
    %dma_wait3A_58 = tpu.memref_slice %arg3[%add3A_55, %dma_wait3A_57] : memref<8192x1024xf32, #tpu.memory_space<hbm>> -> memref<8x1024xf32, #tpu.memory_space<hbm>>
    tpu.wait_dma2 semaphore(%arg20 : memref<!tpu.dma_semaphore, #tpu.memory_space<semaphore_mem>>) src(%arg4 : memref<8x1024xf32, #tpu.memory_space<vmem>>) dst(%dma_wait3A_58 : memref<8x1024xf32, #tpu.memory_space<hbm>>)
    %add3A_59 = arith.constant 200 : i32
    %add3A_60 = arith.addi %mul3A_2, %add3A_59 : i32
    %dma_wait3A_61 = arith.constant 0 : i32
    %dma_wait3A_62 = tpu.memref_slice %arg3[%add3A_60, %dma_wait3A_61] : memref<8192x1024xf32, #tpu.memory_space<hbm>> -> memref<8x1024xf32, #tpu.memory_space<hbm>>
    %dma_wait3A_63 = arith.constant 0 : i32
    %dma_wait3A_64 = tpu.memref_slice %arg3[%add3A_60, %dma_wait3A_63] : memref<8192x1024xf32, #tpu.memory_space<hbm>> -> memref<8x1024xf32, #tpu.memory_space<hbm>>
    tpu.wait_dma2 semaphore(%arg21 : memref<!tpu.dma_semaphore, #tpu.memory_space<semaphore_mem>>) src(%arg5 : memref<8x1024xf32, #tpu.memory_space<vmem>>) dst(%dma_wait3A_64 : memref<8x1024xf32, #tpu.memory_space<hbm>>)
    %add3A_65 = arith.constant 208 : i32
    %add3A_66 = arith.addi %mul3A_2, %add3A_65 : i32
    %dma_wait3A_67 = arith.constant 0 : i32
    %dma_wait3A_68 = tpu.memref_slice %arg3[%add3A_66, %dma_wait3A_67] : memref<8192x1024xf32, #tpu.memory_space<hbm>> -> memref<8x1024xf32, #tpu.memory_space<hbm>>
    %dma_wait3A_69 = arith.constant 0 : i32
    %dma_wait3A_70 = tpu.memref_slice %arg3[%add3A_66, %dma_wait3A_69] : memref<8192x1024xf32, #tpu.memory_space<hbm>> -> memref<8x1024xf32, #tpu.memory_space<hbm>>
    tpu.wait_dma2 semaphore(%arg22 : memref<!tpu.dma_semaphore, #tpu.memory_space<semaphore_mem>>) src(%arg6 : memref<8x1024xf32, #tpu.memory_space<vmem>>) dst(%dma_wait3A_70 : memref<8x1024xf32, #tpu.memory_space<hbm>>)
    %add3A_71 = arith.constant 216 : i32
    %add3A_72 = arith.addi %mul3A_2, %add3A_71 : i32
    %dma_wait3A_73 = arith.constant 0 : i32
    %dma_wait3A_74 = tpu.memref_slice %arg3[%add3A_72, %dma_wait3A_73] : memref<8192x1024xf32, #tpu.memory_space<hbm>> -> memref<8x1024xf32, #tpu.memory_space<hbm>>
    %dma_wait3A_75 = arith.constant 0 : i32
    %dma_wait3A_76 = tpu.memref_slice %arg3[%add3A_72, %dma_wait3A_75] : memref<8192x1024xf32, #tpu.memory_space<hbm>> -> memref<8x1024xf32, #tpu.memory_space<hbm>>
    tpu.wait_dma2 semaphore(%arg23 : memref<!tpu.dma_semaphore, #tpu.memory_space<semaphore_mem>>) src(%arg7 : memref<8x1024xf32, #tpu.memory_space<vmem>>) dst(%dma_wait3A_76 : memref<8x1024xf32, #tpu.memory_space<hbm>>)
    %add3A_77 = arith.constant 224 : i32
    %add3A_78 = arith.addi %mul3A_2, %add3A_77 : i32
    %dma_wait3A_79 = arith.constant 0 : i32
    %dma_wait3A_80 = tpu.memref_slice %arg3[%add3A_78, %dma_wait3A_79] : memref<8192x1024xf32, #tpu.memory_space<hbm>> -> memref<8x1024xf32, #tpu.memory_space<hbm>>
    %dma_wait3A_81 = arith.constant 0 : i32
    %dma_wait3A_82 = tpu.memref_slice %arg3[%add3A_78, %dma_wait3A_81] : memref<8192x1024xf32, #tpu.memory_space<hbm>> -> memref<8x1024xf32, #tpu.memory_space<hbm>>
    tpu.wait_dma2 semaphore(%arg24 : memref<!tpu.dma_semaphore, #tpu.memory_space<semaphore_mem>>) src(%arg8 : memref<8x1024xf32, #tpu.memory_space<vmem>>) dst(%dma_wait3A_82 : memref<8x1024xf32, #tpu.memory_space<hbm>>)
    %add3A_83 = arith.constant 232 : i32
    %add3A_84 = arith.addi %mul3A_2, %add3A_83 : i32
    %dma_wait3A_85 = arith.constant 0 : i32
    %dma_wait3A_86 = tpu.memref_slice %arg3[%add3A_84, %dma_wait3A_85] : memref<8192x1024xf32, #tpu.memory_space<hbm>> -> memref<8x1024xf32, #tpu.memory_space<hbm>>
    %dma_wait3A_87 = arith.constant 0 : i32
    %dma_wait3A_88 = tpu.memref_slice %arg3[%add3A_84, %dma_wait3A_87] : memref<8192x1024xf32, #tpu.memory_space<hbm>> -> memref<8x1024xf32, #tpu.memory_space<hbm>>
    tpu.wait_dma2 semaphore(%arg25 : memref<!tpu.dma_semaphore, #tpu.memory_space<semaphore_mem>>) src(%arg9 : memref<8x1024xf32, #tpu.memory_space<vmem>>) dst(%dma_wait3A_88 : memref<8x1024xf32, #tpu.memory_space<hbm>>)
    %add3A_89 = arith.constant 240 : i32
    %add3A_90 = arith.addi %mul3A_2, %add3A_89 : i32
    %dma_wait3A_91 = arith.constant 0 : i32
    %dma_wait3A_92 = tpu.memref_slice %arg3[%add3A_90, %dma_wait3A_91] : memref<8192x1024xf32, #tpu.memory_space<hbm>> -> memref<8x1024xf32, #tpu.memory_space<hbm>>
    %dma_wait3A_93 = arith.constant 0 : i32
    %dma_wait3A_94 = tpu.memref_slice %arg3[%add3A_90, %dma_wait3A_93] : memref<8192x1024xf32, #tpu.memory_space<hbm>> -> memref<8x1024xf32, #tpu.memory_space<hbm>>
    tpu.wait_dma2 semaphore(%arg26 : memref<!tpu.dma_semaphore, #tpu.memory_space<semaphore_mem>>) src(%arg10 : memref<8x1024xf32, #tpu.memory_space<vmem>>) dst(%dma_wait3A_94 : memref<8x1024xf32, #tpu.memory_space<hbm>>)
    %add3A_95 = arith.constant 248 : i32
    %add3A_96 = arith.addi %mul3A_2, %add3A_95 : i32
    %dma_wait3A_97 = arith.constant 0 : i32
    %dma_wait3A_98 = tpu.memref_slice %arg3[%add3A_96, %dma_wait3A_97] : memref<8192x1024xf32, #tpu.memory_space<hbm>> -> memref<8x1024xf32, #tpu.memory_space<hbm>>
    %dma_wait3A_99 = arith.constant 0 : i32
    %dma_wait3A_100 = tpu.memref_slice %arg3[%add3A_96, %dma_wait3A_99] : memref<8192x1024xf32, #tpu.memory_space<hbm>> -> memref<8x1024xf32, #tpu.memory_space<hbm>>
    tpu.wait_dma2 semaphore(%arg27 : memref<!tpu.dma_semaphore, #tpu.memory_space<semaphore_mem>>) src(%arg11 : memref<8x1024xf32, #tpu.memory_space<vmem>>) dst(%dma_wait3A_100 : memref<8x1024xf32, #tpu.memory_space<hbm>>)
    return
  }
}

</mosaic_0001>

<sc_bundles>
// kernel: kernel.3.cloned.1.call-start
scs
__scs_entry_jumppad:
0x0: {  	(pc) =	sbr.rel $0x88, $3  }
0x1: {  	(tag) =	ssettag $0x0;
	lr =	simm.s32 $0x1  }
0x2: {  	[smem:$0x3FA0] =	sst lr;
	_ =	strace $0xD0000000  }
0x3: {  	_ = 	snop  }
0x4: {  	_ = 	snop  }
0x5: {  	_ = 	snop  }
0x6: {  	_ = 	snop  }
0x7: {  	_ = 	snop  }
__scs_overlays_trampoline_lowered:
0x8: {  	[smem:$0x3FAF] =	sst s0  }
0x9: {  	[smem:$0x3FB0] =	sst s1  }
0xa: {  	[smem:$0x3FB1] =	sst s2  }
0xb: {  	[smem:$0x3FB2] =	sst s3  }
0xc: {  	[smem:$0x3FB3] =	sst s4  }
0xd: {  	[smem:$0x3FB4] =	sst s5  }
0xe: {  	[smem:$0x3FB5] =	sst s6  }
0xf: {  	[smem:$0x3FB6] =	sst s7  }
0x10: {  	[smem:$0x3FB7] =	sst s8  }
0x11: {  	[smem:$0x3FB8] =	sst s9;
	s0 =	simm.s32 @!p0 $0x0  }
0x12: {  	s1 =	sld [smem:$0x3F9E];
	s0 =	simm.s32 @p0 $0x1  }
0x13: {  	[smem:$0x3FB9] =	sst s0;
	s0 =	simm.s32 @!p1 $0x0  }
0x14: {  	s2 =	sld [smem:$0x3F9D];
	s0 =	simm.s32 @p1 $0x1  }
0x15: {  	[smem:$0x3FBA] =	sst s0;
	s0 =	simm.s32 @!p2 $0x0  }
0x16: {  	s3 =	sld [smem:$0x3FDB];
	s0 =	simm.s32 @p2 $0x1  }
0x17: {  	s4 =	simm.s32 $0x1BF5;
	[smem:$0x3FBC] =	sst s0  }
0x18: {  	s0 =	sld [smem:$0x3F9F];
	_ =	swait.ge [sflag:s4], $0x0  }
0x19: {  	s7 =	sld [smem:$0x3FA0]  }
0x1a: {  	s8 =	sadd.s32 $0xFFFFE003, lr  }
0x1b: {  	s9 =	sadd.s32 $0xFFFFFEF7, lr;
	s5 =	simm.s32 $0xFFFFFFFF;
	p2 =	slt.u32 s8, $0xFFFFF086  }
0x1c: {  	p1 =	slt.u32 s9, $0xF7A;
	s5 =	simm.s32 @!p2 $0x0  }
0x1d: {  	s5 =	simm.s32 @p1 $0x1;
	p0 =	seq.s32 s7, s2  }
0x1e: {  	s7 =	smul.u32 @!p0 $0xF7A, s2;
	p2 =	seq.s32 @!p0 s5, $0x0  }
0x1f: {  	s9 =	smul.u32 $0xF7A, s1;
	s8 =	simm.s32 @!p0 $0x1BF5;
	p2 =	por !p2, p0  }
0x20: {  	[sflag:s8] =	ssyncset.s32 @!p0 $0xFFFFF086;
	s6 =	sadd.s32 @!p0 s3, s7;
	s7 =	simm.s32 @!p0 $0x108  }
0x21: {  	s3 =	sadd.s32 s3, s9;
	s6 =	sadd.s32 @!p0 $0x88, s6;
	s7 =	simm.s32 @p2 $0x1082  }
0x22: {  	[simem:s7], [sflag:s8] =	dma.local @!p0 [hbm:s6], $0xF7A  }
0x23: {  	s9 =	sor.u32 $0xD0000000, s2;
	s6 =	simm.s32 $0x108;
	_ =	swait.ge @!p0 [sflag:s8], $0x0  }
0x24: {  	s3 =	sadd.s32 $0x88, s3;
	s6 =	simm.s32 @!p1 $0x1082;
	[sflag:s4] =	ssyncset.s32 $0xFFFFF086  }
0x25: {  	[simem:s6], [sflag:s4] =	dma.local [hbm:s3], $0xF7A  }
0x26: {  	[smem:$0x3FA0] =	sst s1;
	(tag) =	ssettag s2;
	_ =	strace s9  }
0x27: {  	s1 =	sld [smem:$0x3FB0]  }
0x28: {  	s2 =	sld [smem:$0x3FB1]  }
0x29: {  	s4 =	sld [smem:$0x3FB3]  }
0x2a: {  	p0 =	seq.s32 s5, $0x0;
	s5 =	sld [smem:$0x3FB4]  }
0x2b: {  	s6 =	sld [smem:$0x3FB5]  }
0x2c: {  	s7 =	sld [smem:$0x3FB6]  }
0x2d: {  	s3 =	simm.s32 $0x108;
	s8 =	sld [smem:$0x3FB7]  }
0x2e: {  	s3 =	simm.s32 @!p0 $0x1082;
	s9 =	sld [smem:$0x3FB8]  }
0x2f: {  	lr =	sadd.s32 s0, s3;
	s0 =	sld [smem:$0x3FAF]  }
0x30: {  	s3 =	sld [smem:$0x3FB2]  }
0x31: {  	[smem:$0x3FBB] =	sst s10  }
0x32: {  	s10 =	sld [smem:$0x3FB9];
	_ =	sdelay $0x3  }
0x33: {  	p0 =	seq.s32 s10, $0x1;
	s10 =	sld [smem:$0x3FBB];
	_ =	sdelay $0x3  }
0x34: {  	[smem:$0x3FBB] =	sst s10  }
0x35: {  	s10 =	sld [smem:$0x3FBA];
	_ =	sdelay $0x3  }
0x36: {  	p1 =	seq.s32 s10, $0x1;
	s10 =	sld [smem:$0x3FBB];
	_ =	sdelay $0x3  }
0x37: {  	[smem:$0x3FBB] =	sst s10  }
0x38: {  	s10 =	sld [smem:$0x3FBC]  }
0x39: {  	_ = 	snop;
	(pc) =	sbr.ind lr, $3  }
0x3a: {  	_ = 	snop  }
0x3b: {  	_ = 	snop  }
0x3c: {  	p2 =	seq.s32 s10, $0x1;
	s10 =	sld [smem:$0x3FBB]  }
0x3d: {  	_ =	shalt  }
0x3e: {  	_ =	shalt  }
0x3f: {  	_ =	shalt  }
0x40: {  	_ =	shalt  }
0x41: {  	_ =	shalt  }
0x42: {  	_ =	shalt  }
0x43: {  	_ =	shalt  }
0x44: {  	_ =	shalt  }
0x45: {  	_ =	shalt  }
0x46: {  	_ =	shalt  }
0x47: {  	_ =	shalt  }
0x48: {  	_ =	shalt  }
0x49: {  	_ =	shalt  }
0x4a: {  	_ =	shalt  }
0x4b: {  	_ =	shalt  }
0x4c: {  	_ =	shalt  }
0x4d: {  	_ =	shalt  }
0x4e: {  	_ =	shalt  }
0x4f: {  	_ =	shalt  }
0x50: {  	_ =	shalt  }
0x51: {  	_ =	shalt  }
0x52: {  	_ =	shalt  }
0x53: {  	_ =	shalt  }
0x54: {  	_ =	shalt  }
0x55: {  	_ =	shalt  }
0x56: {  	_ =	shalt  }
0x57: {  	_ =	shalt  }
0x58: {  	_ =	shalt  }
0x59: {  	_ =	shalt  }
0x5a: {  	_ =	shalt  }
0x5b: {  	_ =	shalt  }
0x5c: {  	_ =	shalt  }
0x5d: {  	_ =	shalt  }
0x5e: {  	_ =	shalt  }
0x5f: {  	_ =	shalt  }
0x60: {  	_ =	shalt  }
0x61: {  	_ =	shalt  }
0x62: {  	_ =	shalt  }
0x63: {  	_ =	shalt  }
0x64: {  	_ =	shalt  }
0x65: {  	_ =	shalt  }
0x66: {  	_ =	shalt  }
0x67: {  	_ =	shalt  }
0x68: {  	_ =	shalt  }
0x69: {  	_ =	shalt  }
0x6a: {  	_ =	shalt  }
0x6b: {  	_ =	shalt  }
0x6c: {  	_ =	shalt  }
0x6d: {  	_ =	shalt  }
0x6e: {  	_ =	shalt  }
0x6f: {  	_ =	shalt  }
0x70: {  	_ =	shalt  }
0x71: {  	_ =	shalt  }
0x72: {  	_ =	shalt  }
0x73: {  	_ =	shalt  }
0x74: {  	_ =	shalt  }
0x75: {  	_ =	shalt  }
0x76: {  	_ =	shalt  }
0x77: {  	_ =	shalt  }
0x78: {  	_ =	shalt  }
0x79: {  	_ =	shalt  }
0x7a: {  	_ =	shalt  }
0x7b: {  	_ =	shalt  }
0x7c: {  	_ =	shalt  }
0x7d: {  	_ =	shalt  }
0x7e: {  	_ =	shalt  }
0x7f: {  	_ =	shalt  }
0x80: {  	_ =	shalt  }
0x81: {  	_ =	shalt  }
0x82: {  	_ =	shalt  }
0x83: {  	_ =	shalt  }
0x84: {  	_ =	shalt  }
0x85: {  	_ =	shalt  }
0x86: {  	_ =	shalt  }
0x87: {  	_ =	shalt  }
.Lfunc_end0:
.L_simem_size_0:
called_computation_lowered:
.L_overlay_start_0:
0x88: {  	s2 =	sld [smem:$0x3FD9]  }
0x89: {  	s3 =	sld [smem:$0x3FFE];
	_ =	sdelay $0x1  }
0x8a: {  	s1 =	srdreg.scid  }
0x8b: {  	s0 =	sand.u32 $0x1, s1  }
0x8c: {  	s18 =	sshll.u32 s0, $0xA;
	s2 =	sadd.s32 s3, s2  }
0x8d: {  	s2 =	sadd.s32 s2, s18  }
0x8e: {  	[smem:$0x3FC7] =	sst s2  }
0x8f: {  	_ = 	snop  }
0x90: {  	s2 =	sld [smem:$0x3FC9]  }
0x91: {  	s19 =	sld [smem:$0x3FD0];
	(tm) =	ssettm $0x1  }
0x92: {  	s4 =	sld [smem:$0x3FFB];
	_ =	sdelay $0x3  }
0x93: {  	_ =	strace s4  }
0x94: {  	s4 =	sld [smem:$0x3FFC];
	_ =	sdelay $0x3  }
0x95: {  	_ =	strace s4  }
0x96: {  	s4 =	sld [smem:$0x3FFD];
	_ =	sdelay $0x3  }
0x97: {  	_ =	strace s4  }
0x98: {  	_ =	strace $0x8FFFFFFF  }
0x99: {  	s20 =	sld [smem:$0x3FDB];
	_ =	sdelay $0x1  }
0x9a: {  	s5 =	simm.s32 $_scs_section_size  }
0x9b: {  	s6 =	simm.s32 $_size__tile_overlayer_lowered;
	s7 =	simm.s32 $_tile_overlayer_lowered  }
0x9c: {  	s23 =	simm.s32 $0x1BFF;
	s22 =	sshll.u32 s7, $0x1;
	s4 =	sadd.s32 s5, s20  }
0x9d: {  	s8 =	simm.s32 $0x0;
	s21 =	sshll.u32 s6, $0x1;
	s6 =	sadd.s32 s22, s4  }
0x9e: {  	[timem:s8], [sflag:s23] =	dma.local [hbm:s6], s21  }
0x9f: {  	_ =	swait.ge [sflag:s23], s21  }
0xa0: {  	s5 =	ssub.s32 $0x0, s21;
	[sflag:s23] =	ssyncset.done $0x0  }
0xa1: {  	[sflag:s23] =	ssyncadd.s32 s5;
	_ =	sdelay $0x1  }
0xa2: {  	s24 =	simm.s32 $0x1B8B  }
0xa3: {  	_ =	swait.ge [sflag:s24], $0x1  }
0xa4: {  	[sflag:s24] =	ssyncset.done $0x0  }
0xa5: {  	s25 =	simm.s32 $0x1B8E;
	[sflag:s24] =	ssyncadd.s32 $0xFFFFFFFF  }
0xa6: {  	s26 =	simm.s32 $execute0_lowered;
	[smem:$0x3FD2] =	sst s25  }
0xa7: {  	s5 =	sshll.u32 s26, $0x1;
	_ =	strace $0x80000046;
	[dreg:$0x1] =	wrdreg $0xFFFFFFFF  }
0xa8: {  	s28 =	simm.s32 $_size_execute0_lowered;
	s4 =	sadd.s32 s4, s5;
	[dreg:$0x0] =	wrdreg $0x0  }
0xa9: {  	s5 =	sshll.u32 s28, $0x1;
	[dreg:$0x2] =	wrdreg s4  }
0xaa: {  	[dreg:$0x3] =	wrdreg s5  }
0xab: {  	[dreg:$0x4] =	wrdreg $0xC0  }
0xac: {  	_ =	task [dreg:s8], $0x5FFFF  }
0xad: {  	[dreg:$0x1] =	wrdreg $0xFFFFFFFF  }
0xae: {  	[dreg:$0x0] =	wrdreg $0x60  }
0xaf: {  	[dreg:$0x2] =	wrdreg s2  }
0xb0: {  	[dreg:$0x3] =	wrdreg s19  }
0xb1: {  	[dreg:$0x4] =	wrdreg $0x9  }
0xb2: {  	_ =	task.clear_ibuf [dreg:s8], $0x5FFFF;
	_ =	strace $0x90000046  }
0xb3: {  	s29 =	simm.s32 $0x9;
	_ =	strace $0x80000048  }
0xb4: {  	_ =	swait.ge [sflag:s29], $0x1  }
0xb5: {  	[sflag:s29] =	ssyncadd.s32 $0xFFFFFFFF  }
0xb6: {  	_ =	strace $0x90000048  }
0xb7: {  	_ =	sfence  }
0xb8: {  	s30 =	sld [smem:$0x0];
	_ =	sdelay $0x2  }
0xb9: {  	s31 =	sshll.u32 s1, $0xD;
	s1 =	sshrl.u32 s1, $0x2  }
0xba: {  	s3 =	sand.u32 $0x4000, s31;
	s1 =	sadd.s32 s1, s30  }
0xbb: {  	s0 =	sor.u32 s3, s0;
	s1 =	sshll.u32 s1, $0x11  }
0xbc: {  	s0 =	sor.u32 s1, s0  }
0xbd: {  	s0 =	sadd.s32 $0x8F2B, s0  }
0xbe: {  	[sflag:s0] =	ssyncadd.remote.s32 $0x1  }
0xbf: {  	_ =	sfence.sel $0xFFFF  }
0xc0: {  	[dreg:$0x0] =	wrdreg $0xFFFFFFFF;
	(pc) =	sbr.abs _section_cstart, $3  }
0xc1: {  	[dreg:$0x1] =	wrdreg $0xFFFFFFFF  }
0xc2: {  	_ =	task.clear_ibuf [dreg:s8], $0x2FFFF;
	_ =	strace $0x9FFFFFFF  }
0xc3: {  	(tm) =	ssettm $0x7FFFFFFF  }
tec
execute0_lowered:
.L_overlay_start_1:
0x0: {  	(tag) =	ssettag $0x1  }
0x1: {  	s0 =	srdreg.scid  }
0x2: {  	s2 =	rddreg [dreg:$0x0];
	s1 =	stileid.u32  }
0x3: {  	s3 =	rddreg [dreg:$0x1];
	s4 =	simm.s32 $0x0;
	s31 =	simm.s32 $0x1  }
0x4: {  	s8 =	simm.s32 $0x6;
	s9 =	simm.s32 $0x7;
	s10 =	simm.s32 $0x8  }
0x5: {  	s12 =	simm.s32 $0x0;
	s0 =	sand.u32 $0x1, s0;
	s1 =	sshll.u32 s1, $0x9  }
0x6: {  	[smem:$0x7FF] =	sst s4;
	s5 =	sshll.u32 s0, $0x8;
	s0 =	ssub.s32 $0x2, s0  }
0x7: {  	_ =	strace $0x80000047;
	s1 =	sor.u32 s5, s1;
	s6 =	sshrl.u32 s0, $0x1  }
0x8: {  	s5 =	sshll.u32 s1, $0x7;
	s0 =	ssub.s32 s0, s6;
	s13 =	sshrl.u32 s1, $0x3  }
0x9: {  	s1 =	simm.s32 $0x2;
	s6 =	simm.s32 $0x4;
	s7 =	sadd.s32 s2, s5  }
0xa: {  	s14 =	sadd.s32 s3, s5;
	s0 =	smax.u32 s0, $0x1;
	[dreg:$0x3] =	wrdreg s7  }
0xb: {  	s15 =	sor.u32 $0x8, s13;
	s23 =	sadd.s32 $0x400, s7;
	[dreg:$0xb] =	wrdreg s0  }
0xc: {  	s16 =	sor.u32 $0x9, s13;
	s24 =	sadd.s32 $0x800, s7;
	[dreg:$0x4] =	wrdreg s23  }
0xd: {  	s17 =	sor.u32 $0xA, s13;
	s25 =	sadd.s32 $0xC00, s7;
	[dreg:$0x5] =	wrdreg s24  }
0xe: {  	s18 =	sor.u32 $0xB, s13;
	s26 =	sadd.s32 $0x1000, s7;
	[dreg:$0x6] =	wrdreg s25  }
0xf: {  	s19 =	sor.u32 $0xC, s13;
	s28 =	sadd.s32 $0x1400, s7;
	[dreg:$0x7] =	wrdreg s26  }
0x10: {  	s20 =	sor.u32 $0xD, s13;
	s29 =	sadd.s32 $0x1800, s7;
	[dreg:$0x8] =	wrdreg s28  }
0x11: {  	s21 =	sor.u32 $0xE, s13;
	s30 =	sadd.s32 $0x1C00, s7;
	[dreg:$0x9] =	wrdreg s29  }
0x12: {  	s0 =	simm.s32 $0x3;
	s7 =	simm.s32 $0x5;
	[dreg:$0xa] =	wrdreg s30  }
.LBB2_1:
0x13: {  	[dreg:$0xc] =	wrdreg s12  }
0x14: {  	s5 =	rddreg [dreg:$0x3]  }
0x15: {  	[tilespmem:s4], [sflag:$0x1] =	stream.linear.gather [hbm4b:s5+s4], $0x2000, $0x38;
	[tilespmem:$0x10000] =	vst v63  }
0x16: {  	s28 =	rddreg [dreg:$0x4];
	s11 =	simm.s32 $0x2000  }
0x17: {  	[tilespmem:s11], [sflag:$0x2] =	stream.linear.gather [hbm4b:s28+s4], $0x2000, $0x38;
	[tilespmem:$0x10000] =	vst v63  }
0x18: {  	s29 =	rddreg [dreg:$0x5];
	s30 =	simm.s32 $0x4000  }
0x19: {  	[tilespmem:s30], [sflag:$0x3] =	stream.linear.gather [hbm4b:s29+s4], $0x2000, $0x38;
	[tilespmem:$0x10000] =	vst v63  }
0x1a: {  	s12 =	simm.s32 $0x6000;
	s11 =	rddreg [dreg:$0x6]  }
0x1b: {  	[tilespmem:s12], [sflag:$0x4] =	stream.linear.gather [hbm4b:s11+s4], $0x2000, $0x38;
	[tilespmem:$0x10000] =	vst v63  }
0x1c: {  	s22 =	rddreg [dreg:$0x7];
	s23 =	simm.s32 $0x8000  }
0x1d: {  	[tilespmem:s23], [sflag:$0x5] =	stream.linear.gather [hbm4b:s22+s4], $0x2000, $0x38;
	[tilespmem:$0x10000] =	vst v63  }
0x1e: {  	s24 =	rddreg [dreg:$0x8];
	s25 =	simm.s32 $0xA000  }
0x1f: {  	[tilespmem:s25], [sflag:$0x6] =	stream.linear.gather [hbm4b:s24+s4], $0x2000, $0x38;
	[tilespmem:$0x10000] =	vst v63  }
0x20: {  	s26 =	rddreg [dreg:$0x9];
	s28 =	simm.s32 $0xC000  }
0x21: {  	[tilespmem:s28], [sflag:$0x7] =	stream.linear.gather [hbm4b:s26+s4], $0x2000, $0x38;
	[tilespmem:$0x10000] =	vst v63  }
0x22: {  	s29 =	rddreg [dreg:$0xa];
	s30 =	simm.s32 $0xE000;
	s12 =	simm.s32 $0x0  }
0x23: {  	[tilespmem:s30], [sflag:$0x8] =	stream.linear.gather [hbm4b:s29+s4], $0x2000, $0x38;
	[tilespmem:$0x10000] =	vst v63  }
.LBB2_2:
0x24: {  	p0 =	seq.s32 s12, $0x0  }
0x25: {  	s5 =	simm.s32 @!p0 $0x10  }
0x26: {  	s22 =	sshllo.u32 s12, $0x3;
	_ =	swait.ge @!p0 [sflag:s5], $0x2000  }
0x27: {  	s11 =	sadd.s32 @!p0 s13, s22;
	[sflag:s5] =	ssyncset.done @!p0 $0x0  }
0x28: {  	[sflag:s5] =	ssyncadd.s32 @!p0 $0xFFFFE000;
	s5 =	sshll.u32 @!p0 s11, $0xA  }
0x29: {  	s23 =	simm.s32 @!p0 $0xE000;
	s11 =	simm.s32 @!p0 $0x0;
	s5 =	sadd.s32 @!p0 s2, s5  }
0x2a: {  	[tilespmem:s23], [sflag:$0x8] =	stream.linear.gather @!p0 [hbm4b:s5+s11], $0x2000, $0x38;
	[tilespmem:$0x10000] =	vst v63  }
0x2b: {  	s26 =	simm.s32 $0x0;
	_ =	swait.ge [sflag:s31], $0x2000  }
0x2c: {  	s28 =	sand.u32 $0x1C00, s26;
	s5 =	sand.u32 $0x380, s26;
	[sflag:s31] =	ssyncset.done $0x0  }
0x2d: {  	s23 =	sor.u32 s5, s28;
	[sflag:s31] =	ssyncadd.s32 $0xFFFFE000  }
0x2e: {  	v0 =	vld [tilespmem:s23+$0x70]  }
0x2f: {  	v1 =	vld [tilespmem:s23+$0x0]  }
0x30: {  	v2 =	vld [tilespmem:s23+$0x10]  }
0x31: {  	v7 =	vld [tilespmem:s23+$0x50]  }
0x32: {  	v3 =	vld [tilespmem:s23+$0x20]  }
0x33: {  	s29 =	simm.s32 $0x400;
	s30 =	simm.s32 $0x10;
	v5 =	vld [tilespmem:s23+$0x30];
	v0 =	vmul.f32 $3.125000000e-02, v0  }
0x34: {  	s11 =	sand.u32 $0x380, s30;
	s5 =	sand.u32 $0x1C00, s29;
	v6 =	vld [tilespmem:s23+$0x40];
	v1 =	vmul.f32 $3.125000000e-02, v1  }
0x35: {  	s11 =	sor.u32 s11, s5;
	v8 =	vld [tilespmem:s23+$0x60];
	v2 =	vmul.f32 $3.125000000e-02, v2;
	[tilespmem:s23+$0x70] =	vst v0  }
0x36: {  	v9 =	vld [tilespmem:s11+$0x70];
	v7 =	vmul.f32 $3.125000000e-02, v7;
	[tilespmem:s23+$0x0] =	vst v1  }
0x37: {  	v4 =	vld [tilespmem:s11+$0x0];
	v0 =	vmul.f32 $3.125000000e-02, v3;
	[tilespmem:s23+$0x10] =	vst v2  }
0x38: {  	v1 =	vmul.f32 $3.125000000e-02, v5;
	v3 =	vld [tilespmem:s11+$0x10];
	[tilespmem:s23+$0x50] =	vst v7  }
0x39: {  	v2 =	vmul.f32 $3.125000000e-02, v6;
	[tilespmem:s23+$0x20] =	vst v0;
	v0 =	vld [tilespmem:s11+$0x20]  }
0x3a: {  	s24 =	simm.s32 $0x8;
	v6 =	vmul.f32 $3.125000000e-02, v8;
	[tilespmem:s23+$0x30] =	vst v1;
	v1 =	vld [tilespmem:s11+$0x30]  }
0x3b: {  	s25 =	simm.s32 $0x800;
	s26 =	simm.s32 $0x20;
	s5 =	sshll.u32 s12, $0x3;
	v5 =	vmul.f32 $3.125000000e-02, v9;
	[tilespmem:s23+$0x40] =	vst v2;
	v2 =	vld [tilespmem:s11+$0x40]  }
.LBB2_3:
0x3c: {  	s28 =	sand.u32 $0x1C00, s25;
	s29 =	sand.u32 $0x380, s26;
	s24 =	sadd.s32 $0x8, s24;
	v4 =	vmul.f32 $3.125000000e-02, v4;
	v7 =	vld [tilespmem:s11+$0x50];
	[tilespmem:s23+$0x60] =	vst v6  }
0x3d: {  	s23 =	smov.u32 s11;
	p0 =	slt.u32 s24, $0x1F8;
	v3 =	vmul.f32 $3.125000000e-02, v3;
	v6 =	vld [tilespmem:s11+$0x60];
	[tilespmem:s11+$0x70] =	vst v5;
	s11 =	sor.u32 s29, s28  }
0x3e: {  	v5 =	vld [tilespmem:s11+$0x70];
	[tilespmem:s23+$0x0] =	vst v4;
	v0 =	vmul.f32 $3.125000000e-02, v0  }
.Ltmp0:
0x3f: {  	v4 =	vld [tilespmem:s11+$0x0];
	[tilespmem:s23+$0x10] =	vst v3;
	v1 =	vmul.f32 $3.125000000e-02, v1;
	(pc) =	sbr.rel @p0 .LBB2_3-.Ltmp0, $4  }
0x40: {  	v3 =	vld [tilespmem:s11+$0x10];
	[tilespmem:s23+$0x20] =	vst v0;
	v2 =	vmul.f32 $3.125000000e-02, v2  }
0x41: {  	v0 =	vld [tilespmem:s11+$0x20];
	[tilespmem:s23+$0x30] =	vst v1;
	v7 =	vmul.f32 $3.125000000e-02, v7  }
0x42: {  	v1 =	vld [tilespmem:s11+$0x30];
	[tilespmem:s23+$0x40] =	vst v2;
	v6 =	vmul.f32 $3.125000000e-02, v6  }
0x43: {  	s25 =	sadd.s32 $0x400, s25;
	s26 =	sadd.s32 $0x10, s26;
	v2 =	vld [tilespmem:s11+$0x40];
	v5 =	vmul.f32 $3.125000000e-02, v5;
	[tilespmem:s23+$0x50] =	vst v7  }
0x44: {  	v4 =	vmul.f32 $3.125000000e-02, v4;
	v7 =	vld [tilespmem:s11+$0x50];
	[tilespmem:s23+$0x60] =	vst v6  }
0x45: {  	v6 =	vld [tilespmem:s11+$0x60];
	v3 =	vmul.f32 $3.125000000e-02, v3;
	[tilespmem:s11+$0x70] =	vst v5  }
0x46: {  	[tilespmem:s11+$0x0] =	vst v4;
	v0 =	vmul.f32 $3.125000000e-02, v0  }
0x47: {  	[tilespmem:s11+$0x10] =	vst v3;
	v1 =	vmul.f32 $3.125000000e-02, v1  }
0x48: {  	[tilespmem:s11+$0x20] =	vst v0;
	v0 =	vmul.f32 $3.125000000e-02, v2  }
0x49: {  	[tilespmem:s11+$0x30] =	vst v1;
	v1 =	vmul.f32 $3.125000000e-02, v7  }
0x4a: {  	[tilespmem:s11+$0x40] =	vst v0;
	v0 =	vmul.f32 $3.125000000e-02, v6  }
0x4b: {  	s24 =	sshll.u32 s12, $0xD;
	p0 =	seq.s32 s12, $0x3;
	[tilespmem:s11+$0x50] =	vst v1  }
0x4c: {  	s25 =	sadd.s32 s24, s14;
	s23 =	sadd.s32 @!p0 s5, s15;
	[tilespmem:s11+$0x60] =	vst v0;
	s11 =	simm.s32 @!p0 $0x9  }
0x4d: {  	[hbm4b:s25+s4] =	stream.linear.scatter [tilespmem:s4], [sflag:$0x9], $0x2000, $0x38;
	[tilespmem:$0x10000] =	vst v63  }
0x4e: {  	s23 =	sshll.u32 @!p0 s23, $0xA;
	_ =	swait.ge @!p0 [sflag:s11], $0x2000  }
0x4f: {  	s23 =	sand.u32 @!p0 $0x1FFFE000, s23;
	[sflag:s11] =	ssyncset.done @!p0 $0x0  }
0x50: {  	[sflag:s11] =	ssyncadd.s32 @!p0 $0xFFFFE000;
	s11 =	sadd.s32 @!p0 s2, s23;
	s23 =	simm.s32 @!p0 $0x0  }
0x51: {  	[tilespmem:s23], [sflag:$0x1] =	stream.linear.gather @!p0 [hbm4b:s11+s23], $0x2000, $0x38;
	[tilespmem:$0x10000] =	vst v63  }
0x52: {  	s26 =	simm.s32 $0x0;
	_ =	swait.ge [sflag:s1], $0x2000  }
0x53: {  	s29 =	sand.u32 $0x1C00, s26;
	s11 =	sand.u32 $0x380, s26;
	[sflag:s1] =	ssyncset.done $0x0  }
0x54: {  	s23 =	sor.u32 s11, s29;
	[sflag:s1] =	ssyncadd.s32 $0xFFFFE000  }
0x55: {  	v0 =	vld [tilespmem:s23+$0x2070]  }
0x56: {  	v1 =	vld [tilespmem:s23+$0x2000]  }
0x57: {  	v2 =	vld [tilespmem:s23+$0x2010]  }
0x58: {  	v7 =	vld [tilespmem:s23+$0x2050]  }
0x59: {  	v3 =	vld [tilespmem:s23+$0x2020]  }
0x5a: {  	s30 =	simm.s32 $0x400;
	s24 =	simm.s32 $0x10;
	v5 =	vld [tilespmem:s23+$0x2030];
	v0 =	vmul.f32 $3.125000000e-02, v0  }
0x5b: {  	s24 =	sand.u32 $0x380, s24;
	s11 =	sand.u32 $0x1C00, s30;
	v6 =	vld [tilespmem:s23+$0x2040];
	v1 =	vmul.f32 $3.125000000e-02, v1  }
0x5c: {  	s11 =	sor.u32 s24, s11;
	v8 =	vld [tilespmem:s23+$0x2060];
	v2 =	vmul.f32 $3.125000000e-02, v2;
	[tilespmem:s23+$0x2070] =	vst v0  }
0x5d: {  	v9 =	vld [tilespmem:s11+$0x2070];
	v7 =	vmul.f32 $3.125000000e-02, v7;
	[tilespmem:s23+$0x2000] =	vst v1  }
0x5e: {  	v4 =	vld [tilespmem:s11+$0x2000];
	v0 =	vmul.f32 $3.125000000e-02, v3;
	[tilespmem:s23+$0x2010] =	vst v2  }
0x5f: {  	v1 =	vmul.f32 $3.125000000e-02, v5;
	v3 =	vld [tilespmem:s11+$0x2010];
	[tilespmem:s23+$0x2050] =	vst v7  }
0x60: {  	v2 =	vmul.f32 $3.125000000e-02, v6;
	[tilespmem:s23+$0x2020] =	vst v0;
	v0 =	vld [tilespmem:s11+$0x2020]  }
0x61: {  	s28 =	simm.s32 $0x20;
	v6 =	vmul.f32 $3.125000000e-02, v8;
	[tilespmem:s23+$0x2030] =	vst v1;
	v1 =	vld [tilespmem:s11+$0x2030]  }
0x62: {  	s25 =	simm.s32 $0x8;
	s26 =	simm.s32 $0x800;
	s24 =	sor.u32 $0x1, s5;
	v5 =	vmul.f32 $3.125000000e-02, v9;
	[tilespmem:s23+$0x2040] =	vst v2;
	v2 =	vld [tilespmem:s11+$0x2040]  }
.LBB2_5:
0x63: {  	s29 =	sand.u32 $0x1C00, s26;
	s30 =	sand.u32 $0x380, s28;
	s25 =	sadd.s32 $0x8, s25;
	v4 =	vmul.f32 $3.125000000e-02, v4;
	v7 =	vld [tilespmem:s11+$0x2050];
	[tilespmem:s23+$0x2060] =	vst v6  }
0x64: {  	s23 =	smov.u32 s11;
	p1 =	slt.u32 s25, $0x1F8;
	v3 =	vmul.f32 $3.125000000e-02, v3;
	v6 =	vld [tilespmem:s11+$0x2060];
	[tilespmem:s11+$0x2070] =	vst v5;
	s11 =	sor.u32 s30, s29  }
0x65: {  	v5 =	vld [tilespmem:s11+$0x2070];
	[tilespmem:s23+$0x2000] =	vst v4;
	v0 =	vmul.f32 $3.125000000e-02, v0  }
.Ltmp1:
0x66: {  	v4 =	vld [tilespmem:s11+$0x2000];
	[tilespmem:s23+$0x2010] =	vst v3;
	v1 =	vmul.f32 $3.125000000e-02, v1;
	(pc) =	sbr.rel @p1 .LBB2_5-.Ltmp1, $4  }
0x67: {  	v3 =	vld [tilespmem:s11+$0x2010];
	[tilespmem:s23+$0x2020] =	vst v0;
	v2 =	vmul.f32 $3.125000000e-02, v2  }
0x68: {  	v0 =	vld [tilespmem:s11+$0x2020];
	[tilespmem:s23+$0x2030] =	vst v1;
	v7 =	vmul.f32 $3.125000000e-02, v7  }
0x69: {  	v1 =	vld [tilespmem:s11+$0x2030];
	[tilespmem:s23+$0x2040] =	vst v2;
	v6 =	vmul.f32 $3.125000000e-02, v6  }
0x6a: {  	s26 =	sadd.s32 $0x400, s26;
	s28 =	sadd.s32 $0x10, s28;
	v2 =	vld [tilespmem:s11+$0x2040];
	v5 =	vmul.f32 $3.125000000e-02, v5;
	[tilespmem:s23+$0x2050] =	vst v7  }
0x6b: {  	v4 =	vmul.f32 $3.125000000e-02, v4;
	v7 =	vld [tilespmem:s11+$0x2050];
	[tilespmem:s23+$0x2060] =	vst v6  }
0x6c: {  	v6 =	vld [tilespmem:s11+$0x2060];
	v3 =	vmul.f32 $3.125000000e-02, v3;
	[tilespmem:s11+$0x2070] =	vst v5  }
0x6d: {  	[tilespmem:s11+$0x2000] =	vst v4;
	v0 =	vmul.f32 $3.125000000e-02, v0  }
0x6e: {  	[tilespmem:s11+$0x2010] =	vst v3;
	v1 =	vmul.f32 $3.125000000e-02, v1  }
0x6f: {  	[tilespmem:s11+$0x2020] =	vst v0;
	v0 =	vmul.f32 $3.125000000e-02, v2  }
0x70: {  	[tilespmem:s11+$0x2030] =	vst v1;
	v1 =	vmul.f32 $3.125000000e-02, v7  }
0x71: {  	s30 =	sadd.s32 s13, s24;
	[tilespmem:s11+$0x2040] =	vst v0;
	v0 =	vmul.f32 $3.125000000e-02, v6  }
0x72: {  	s23 =	sshll.u32 s30, $0xA;
	[tilespmem:s11+$0x2050] =	vst v1  }
0x73: {  	s24 =	simm.s32 $0x2000;
	s23 =	sadd.s32 s3, s23;
	[tilespmem:s11+$0x2060] =	vst v0;
	s11 =	simm.s32 @!p0 $0xA  }
0x74: {  	[hbm4b:s23+s4] =	stream.linear.scatter [tilespmem:s24], [sflag:$0xA], $0x2000, $0x38;
	[tilespmem:$0x10000] =	vst v63  }
0x75: {  	_ =	swait.ge @!p0 [sflag:s11], $0x2000  }
0x76: {  	s23 =	sadd.s32 @!p0 s5, s16;
	[sflag:s11] =	ssyncset.done @!p0 $0x0  }
0x77: {  	[sflag:s11] =	ssyncadd.s32 @!p0 $0xFFFFE000;
	s11 =	sshll.u32 @!p0 s23, $0xA  }
0x78: {  	s24 =	simm.s32 @!p0 $0x2000;
	s23 =	simm.s32 @!p0 $0x0;
	s11 =	sadd.s32 @!p0 s2, s11  }
0x79: {  	[tilespmem:s24], [sflag:$0x2] =	stream.linear.gather @!p0 [hbm4b:s11+s23], $0x2000, $0x38;
	[tilespmem:$0x10000] =	vst v63  }
0x7a: {  	s25 =	simm.s32 $0x0;
	_ =	swait.ge [sflag:s0], $0x2000  }
0x7b: {  	s26 =	sand.u32 $0x1C00, s25;
	s11 =	sand.u32 $0x380, s25;
	[sflag:s0] =	ssyncset.done $0x0  }
0x7c: {  	s23 =	sor.u32 s11, s26;
	[sflag:s0] =	ssyncadd.s32 $0xFFFFE000  }
0x7d: {  	v0 =	vld [tilespmem:s23+$0x4070]  }
0x7e: {  	v1 =	vld [tilespmem:s23+$0x4000]  }
0x7f: {  	v2 =	vld [tilespmem:s23+$0x4010]  }
0x80: {  	v7 =	vld [tilespmem:s23+$0x4050]  }
0x81: {  	v3 =	vld [tilespmem:s23+$0x4020]  }
0x82: {  	s29 =	simm.s32 $0x400;
	s30 =	simm.s32 $0x10;
	v5 =	vld [tilespmem:s23+$0x4030];
	v0 =	vmul.f32 $3.125000000e-02, v0  }
0x83: {  	s24 =	sand.u32 $0x380, s30;
	s11 =	sand.u32 $0x1C00, s29;
	v6 =	vld [tilespmem:s23+$0x4040];
	v1 =	vmul.f32 $3.125000000e-02, v1  }
0x84: {  	s11 =	sor.u32 s24, s11;
	v8 =	vld [tilespmem:s23+$0x4060];
	v2 =	vmul.f32 $3.125000000e-02, v2;
	[tilespmem:s23+$0x4070] =	vst v0  }
0x85: {  	v9 =	vld [tilespmem:s11+$0x4070];
	v7 =	vmul.f32 $3.125000000e-02, v7;
	[tilespmem:s23+$0x4000] =	vst v1  }
0x86: {  	v4 =	vld [tilespmem:s11+$0x4000];
	v0 =	vmul.f32 $3.125000000e-02, v3;
	[tilespmem:s23+$0x4010] =	vst v2  }
0x87: {  	v1 =	vmul.f32 $3.125000000e-02, v5;
	v3 =	vld [tilespmem:s11+$0x4010];
	[tilespmem:s23+$0x4050] =	vst v7  }
0x88: {  	v2 =	vmul.f32 $3.125000000e-02, v6;
	[tilespmem:s23+$0x4020] =	vst v0;
	v0 =	vld [tilespmem:s11+$0x4020]  }
0x89: {  	s28 =	simm.s32 $0x20;
	v6 =	vmul.f32 $3.125000000e-02, v8;
	[tilespmem:s23+$0x4030] =	vst v1;
	v1 =	vld [tilespmem:s11+$0x4030]  }
0x8a: {  	s25 =	simm.s32 $0x8;
	s26 =	simm.s32 $0x800;
	s24 =	sor.u32 $0x2, s5;
	v5 =	vmul.f32 $3.125000000e-02, v9;
	[tilespmem:s23+$0x4040] =	vst v2;
	v2 =	vld [tilespmem:s11+$0x4040]  }
.LBB2_7:
0x8b: {  	s29 =	sand.u32 $0x1C00, s26;
	s30 =	sand.u32 $0x380, s28;
	s25 =	sadd.s32 $0x8, s25;
	v4 =	vmul.f32 $3.125000000e-02, v4;
	v7 =	vld [tilespmem:s11+$0x4050];
	[tilespmem:s23+$0x4060] =	vst v6  }
0x8c: {  	s23 =	smov.u32 s11;
	p1 =	slt.u32 s25, $0x1F8;
	v3 =	vmul.f32 $3.125000000e-02, v3;
	v6 =	vld [tilespmem:s11+$0x4060];
	[tilespmem:s11+$0x4070] =	vst v5;
	s11 =	sor.u32 s30, s29  }
0x8d: {  	v5 =	vld [tilespmem:s11+$0x4070];
	[tilespmem:s23+$0x4000] =	vst v4;
	v0 =	vmul.f32 $3.125000000e-02, v0  }
.Ltmp2:
0x8e: {  	v4 =	vld [tilespmem:s11+$0x4000];
	[tilespmem:s23+$0x4010] =	vst v3;
	v1 =	vmul.f32 $3.125000000e-02, v1;
	(pc) =	sbr.rel @p1 .LBB2_7-.Ltmp2, $4  }
0x8f: {  	v3 =	vld [tilespmem:s11+$0x4010];
	[tilespmem:s23+$0x4020] =	vst v0;
	v2 =	vmul.f32 $3.125000000e-02, v2  }
0x90: {  	v0 =	vld [tilespmem:s11+$0x4020];
	[tilespmem:s23+$0x4030] =	vst v1;
	v7 =	vmul.f32 $3.125000000e-02, v7  }
0x91: {  	v1 =	vld [tilespmem:s11+$0x4030];
	[tilespmem:s23+$0x4040] =	vst v2;
	v6 =	vmul.f32 $3.125000000e-02, v6  }
0x92: {  	s26 =	sadd.s32 $0x400, s26;
	s28 =	sadd.s32 $0x10, s28;
	v2 =	vld [tilespmem:s11+$0x4040];
	v5 =	vmul.f32 $3.125000000e-02, v5;
	[tilespmem:s23+$0x4050] =	vst v7  }
0x93: {  	v4 =	vmul.f32 $3.125000000e-02, v4;
	v7 =	vld [tilespmem:s11+$0x4050];
	[tilespmem:s23+$0x4060] =	vst v6  }
0x94: {  	v6 =	vld [tilespmem:s11+$0x4060];
	v3 =	vmul.f32 $3.125000000e-02, v3;
	[tilespmem:s11+$0x4070] =	vst v5  }
0x95: {  	[tilespmem:s11+$0x4000] =	vst v4;
	v0 =	vmul.f32 $3.125000000e-02, v0  }
0x96: {  	[tilespmem:s11+$0x4010] =	vst v3;
	v1 =	vmul.f32 $3.125000000e-02, v1  }
0x97: {  	[tilespmem:s11+$0x4020] =	vst v0;
	v0 =	vmul.f32 $3.125000000e-02, v2  }
0x98: {  	s30 =	sadd.s32 s13, s24;
	[tilespmem:s11+$0x4030] =	vst v1;
	v1 =	vmul.f32 $3.125000000e-02, v7  }
0x99: {  	s23 =	sshll.u32 s30, $0xA;
	[tilespmem:s11+$0x4040] =	vst v0;
	v0 =	vmul.f32 $3.125000000e-02, v6  }
0x9a: {  	s23 =	sand.u32 $0x1FFFE800, s23;
	[tilespmem:s11+$0x4050] =	vst v1  }
0x9b: {  	s24 =	simm.s32 $0x4000;
	s23 =	sadd.s32 s3, s23;
	[tilespmem:s11+$0x4060] =	vst v0;
	s11 =	simm.s32 @!p0 $0xB  }
0x9c: {  	[hbm4b:s23+s4] =	stream.linear.scatter [tilespmem:s24], [sflag:$0xB], $0x2000, $0x38;
	[tilespmem:$0x10000] =	vst v63  }
0x9d: {  	s23 =	sadd.s32 @!p0 s5, s17;
	_ =	swait.ge @!p0 [sflag:s11], $0x2000  }
0x9e: {  	s23 =	sshll.u32 @!p0 s23, $0xA;
	[sflag:s11] =	ssyncset.done @!p0 $0x0  }
0x9f: {  	[sflag:s11] =	ssyncadd.s32 @!p0 $0xFFFFE000;
	s11 =	sand.u32 @!p0 $0x1FFFE800, s23  }
0xa0: {  	s24 =	simm.s32 @!p0 $0x4000;
	s23 =	simm.s32 @!p0 $0x0;
	s11 =	sadd.s32 @!p0 s2, s11  }
0xa1: {  	[tilespmem:s24], [sflag:$0x3] =	stream.linear.gather @!p0 [hbm4b:s11+s23], $0x2000, $0x38;
	[tilespmem:$0x10000] =	vst v63  }
0xa2: {  	s25 =	simm.s32 $0x0;
	_ =	swait.ge [sflag:s6], $0x2000  }
0xa3: {  	s26 =	sand.u32 $0x1C00, s25;
	s11 =	sand.u32 $0x380, s25;
	[sflag:s6] =	ssyncset.done $0x0  }
0xa4: {  	s23 =	sor.u32 s11, s26;
	[sflag:s6] =	ssyncadd.s32 $0xFFFFE000  }
0xa5: {  	v0 =	vld [tilespmem:s23+$0x6070]  }
0xa6: {  	v1 =	vld [tilespmem:s23+$0x6000]  }
0xa7: {  	v2 =	vld [tilespmem:s23+$0x6010]  }
0xa8: {  	v7 =	vld [tilespmem:s23+$0x6050]  }
0xa9: {  	v3 =	vld [tilespmem:s23+$0x6020]  }
0xaa: {  	s29 =	simm.s32 $0x400;
	s30 =	simm.s32 $0x10;
	v5 =	vld [tilespmem:s23+$0x6030];
	v0 =	vmul.f32 $3.125000000e-02, v0  }
0xab: {  	s24 =	sand.u32 $0x380, s30;
	s11 =	sand.u32 $0x1C00, s29;
	v6 =	vld [tilespmem:s23+$0x6040];
	v1 =	vmul.f32 $3.125000000e-02, v1  }
0xac: {  	s11 =	sor.u32 s24, s11;
	v8 =	vld [tilespmem:s23+$0x6060];
	v2 =	vmul.f32 $3.125000000e-02, v2;
	[tilespmem:s23+$0x6070] =	vst v0  }
0xad: {  	v9 =	vld [tilespmem:s11+$0x6070];
	v7 =	vmul.f32 $3.125000000e-02, v7;
	[tilespmem:s23+$0x6000] =	vst v1  }
0xae: {  	v4 =	vld [tilespmem:s11+$0x6000];
	v0 =	vmul.f32 $3.125000000e-02, v3;
	[tilespmem:s23+$0x6010] =	vst v2  }
0xaf: {  	v1 =	vmul.f32 $3.125000000e-02, v5;
	v3 =	vld [tilespmem:s11+$0x6010];
	[tilespmem:s23+$0x6050] =	vst v7  }
0xb0: {  	v2 =	vmul.f32 $3.125000000e-02, v6;
	[tilespmem:s23+$0x6020] =	vst v0;
	v0 =	vld [tilespmem:s11+$0x6020]  }
0xb1: {  	s28 =	simm.s32 $0x20;
	v6 =	vmul.f32 $3.125000000e-02, v8;
	[tilespmem:s23+$0x6030] =	vst v1;
	v1 =	vld [tilespmem:s11+$0x6030]  }
0xb2: {  	s25 =	simm.s32 $0x8;
	s26 =	simm.s32 $0x800;
	s24 =	sor.u32 $0x3, s5;
	v5 =	vmul.f32 $3.125000000e-02, v9;
	[tilespmem:s23+$0x6040] =	vst v2;
	v2 =	vld [tilespmem:s11+$0x6040]  }
.LBB2_9:
0xb3: {  	s29 =	sand.u32 $0x1C00, s26;
	s30 =	sand.u32 $0x380, s28;
	s25 =	sadd.s32 $0x8, s25;
	v4 =	vmul.f32 $3.125000000e-02, v4;
	v7 =	vld [tilespmem:s11+$0x6050];
	[tilespmem:s23+$0x6060] =	vst v6  }
0xb4: {  	s23 =	smov.u32 s11;
	p1 =	slt.u32 s25, $0x1F8;
	v3 =	vmul.f32 $3.125000000e-02, v3;
	v6 =	vld [tilespmem:s11+$0x6060];
	[tilespmem:s11+$0x6070] =	vst v5;
	s11 =	sor.u32 s30, s29  }
0xb5: {  	v5 =	vld [tilespmem:s11+$0x6070];
	[tilespmem:s23+$0x6000] =	vst v4;
	v0 =	vmul.f32 $3.125000000e-02, v0  }
.Ltmp3:
0xb6: {  	v4 =	vld [tilespmem:s11+$0x6000];
	[tilespmem:s23+$0x6010] =	vst v3;
	v1 =	vmul.f32 $3.125000000e-02, v1;
	(pc) =	sbr.rel @p1 .LBB2_9-.Ltmp3, $4  }
0xb7: {  	v3 =	vld [tilespmem:s11+$0x6010];
	[tilespmem:s23+$0x6020] =	vst v0;
	v2 =	vmul.f32 $3.125000000e-02, v2  }
0xb8: {  	v0 =	vld [tilespmem:s11+$0x6020];
	[tilespmem:s23+$0x6030] =	vst v1;
	v7 =	vmul.f32 $3.125000000e-02, v7  }
0xb9: {  	v1 =	vld [tilespmem:s11+$0x6030];
	[tilespmem:s23+$0x6040] =	vst v2;
	v6 =	vmul.f32 $3.125000000e-02, v6  }
0xba: {  	s26 =	sadd.s32 $0x400, s26;
	s28 =	sadd.s32 $0x10, s28;
	v2 =	vld [tilespmem:s11+$0x6040];
	v5 =	vmul.f32 $3.125000000e-02, v5;
	[tilespmem:s23+$0x6050] =	vst v7  }
0xbb: {  	v4 =	vmul.f32 $3.125000000e-02, v4;
	v7 =	vld [tilespmem:s11+$0x6050];
	[tilespmem:s23+$0x6060] =	vst v6  }
0xbc: {  	v6 =	vld [tilespmem:s11+$0x6060];
	v3 =	vmul.f32 $3.125000000e-02, v3;
	[tilespmem:s11+$0x6070] =	vst v5  }
0xbd: {  	[tilespmem:s11+$0x6000] =	vst v4;
	v0 =	vmul.f32 $3.125000000e-02, v0  }
0xbe: {  	[tilespmem:s11+$0x6010] =	vst v3;
	v1 =	vmul.f32 $3.125000000e-02, v1  }
0xbf: {  	[tilespmem:s11+$0x6020] =	vst v0;
	v0 =	vmul.f32 $3.125000000e-02, v2  }
0xc0: {  	[tilespmem:s11+$0x6030] =	vst v1;
	v1 =	vmul.f32 $3.125000000e-02, v7  }
0xc1: {  	s30 =	sadd.s32 s13, s24;
	[tilespmem:s11+$0x6040] =	vst v0;
	v0 =	vmul.f32 $3.125000000e-02, v6  }
0xc2: {  	s23 =	sshll.u32 s30, $0xA;
	[tilespmem:s11+$0x6050] =	vst v1  }
0xc3: {  	s24 =	simm.s32 $0x6000;
	s23 =	sadd.s32 s3, s23;
	[tilespmem:s11+$0x6060] =	vst v0;
	s11 =	simm.s32 @!p0 $0xC  }
0xc4: {  	[hbm4b:s23+s4] =	stream.linear.scatter [tilespmem:s24], [sflag:$0xC], $0x2000, $0x38;
	[tilespmem:$0x10000] =	vst v63  }
0xc5: {  	_ =	swait.ge @!p0 [sflag:s11], $0x2000  }
0xc6: {  	s23 =	sadd.s32 @!p0 s5, s18;
	[sflag:s11] =	ssyncset.done @!p0 $0x0  }
0xc7: {  	[sflag:s11] =	ssyncadd.s32 @!p0 $0xFFFFE000;
	s11 =	sshll.u32 @!p0 s23, $0xA  }
0xc8: {  	s24 =	simm.s32 @!p0 $0x6000;
	s23 =	simm.s32 @!p0 $0x0;
	s11 =	sadd.s32 @!p0 s2, s11  }
0xc9: {  	[tilespmem:s24], [sflag:$0x4] =	stream.linear.gather @!p0 [hbm4b:s11+s23], $0x2000, $0x38;
	[tilespmem:$0x10000] =	vst v63  }
0xca: {  	s25 =	simm.s32 $0x0;
	_ =	swait.ge [sflag:s7], $0x2000  }
0xcb: {  	s26 =	sand.u32 $0x1C00, s25;
	s11 =	sand.u32 $0x380, s25;
	[sflag:s7] =	ssyncset.done $0x0  }
0xcc: {  	s23 =	sor.u32 s11, s26;
	[sflag:s7] =	ssyncadd.s32 $0xFFFFE000  }
0xcd: {  	v0 =	vld [tilespmem:s23+$0x8070]  }
0xce: {  	v1 =	vld [tilespmem:s23+$0x8000]  }
0xcf: {  	v2 =	vld [tilespmem:s23+$0x8010]  }
0xd0: {  	v7 =	vld [tilespmem:s23+$0x8050]  }
0xd1: {  	v3 =	vld [tilespmem:s23+$0x8020]  }
0xd2: {  	s29 =	simm.s32 $0x400;
	s30 =	simm.s32 $0x10;
	v5 =	vld [tilespmem:s23+$0x8030];
	v0 =	vmul.f32 $3.125000000e-02, v0  }
0xd3: {  	s24 =	sand.u32 $0x380, s30;
	s11 =	sand.u32 $0x1C00, s29;
	v6 =	vld [tilespmem:s23+$0x8040];
	v1 =	vmul.f32 $3.125000000e-02, v1  }
0xd4: {  	s11 =	sor.u32 s24, s11;
	v8 =	vld [tilespmem:s23+$0x8060];
	v2 =	vmul.f32 $3.125000000e-02, v2;
	[tilespmem:s23+$0x8070] =	vst v0  }
0xd5: {  	v9 =	vld [tilespmem:s11+$0x8070];
	v7 =	vmul.f32 $3.125000000e-02, v7;
	[tilespmem:s23+$0x8000] =	vst v1  }
0xd6: {  	v4 =	vld [tilespmem:s11+$0x8000];
	v0 =	vmul.f32 $3.125000000e-02, v3;
	[tilespmem:s23+$0x8010] =	vst v2  }
0xd7: {  	v1 =	vmul.f32 $3.125000000e-02, v5;
	v3 =	vld [tilespmem:s11+$0x8010];
	[tilespmem:s23+$0x8050] =	vst v7  }
0xd8: {  	v2 =	vmul.f32 $3.125000000e-02, v6;
	[tilespmem:s23+$0x8020] =	vst v0;
	v0 =	vld [tilespmem:s11+$0x8020]  }
0xd9: {  	s28 =	simm.s32 $0x20;
	v6 =	vmul.f32 $3.125000000e-02, v8;
	[tilespmem:s23+$0x8030] =	vst v1;
	v1 =	vld [tilespmem:s11+$0x8030]  }
0xda: {  	s25 =	simm.s32 $0x8;
	s26 =	simm.s32 $0x800;
	s24 =	sor.u32 $0x4, s5;
	v5 =	vmul.f32 $3.125000000e-02, v9;
	[tilespmem:s23+$0x8040] =	vst v2;
	v2 =	vld [tilespmem:s11+$0x8040]  }
.LBB2_11:
0xdb: {  	s29 =	sand.u32 $0x1C00, s26;
	s30 =	sand.u32 $0x380, s28;
	s25 =	sadd.s32 $0x8, s25;
	v4 =	vmul.f32 $3.125000000e-02, v4;
	v7 =	vld [tilespmem:s11+$0x8050];
	[tilespmem:s23+$0x8060] =	vst v6  }
0xdc: {  	s23 =	smov.u32 s11;
	p1 =	slt.u32 s25, $0x1F8;
	v3 =	vmul.f32 $3.125000000e-02, v3;
	v6 =	vld [tilespmem:s11+$0x8060];
	[tilespmem:s11+$0x8070] =	vst v5;
	s11 =	sor.u32 s30, s29  }
0xdd: {  	v5 =	vld [tilespmem:s11+$0x8070];
	[tilespmem:s23+$0x8000] =	vst v4;
	v0 =	vmul.f32 $3.125000000e-02, v0  }
.Ltmp4:
0xde: {  	v4 =	vld [tilespmem:s11+$0x8000];
	[tilespmem:s23+$0x8010] =	vst v3;
	v1 =	vmul.f32 $3.125000000e-02, v1;
	(pc) =	sbr.rel @p1 .LBB2_11-.Ltmp4, $4  }
0xdf: {  	v3 =	vld [tilespmem:s11+$0x8010];
	[tilespmem:s23+$0x8020] =	vst v0;
	v2 =	vmul.f32 $3.125000000e-02, v2  }
0xe0: {  	v0 =	vld [tilespmem:s11+$0x8020];
	[tilespmem:s23+$0x8030] =	vst v1;
	v7 =	vmul.f32 $3.125000000e-02, v7  }
0xe1: {  	v1 =	vld [tilespmem:s11+$0x8030];
	[tilespmem:s23+$0x8040] =	vst v2;
	v6 =	vmul.f32 $3.125000000e-02, v6  }
0xe2: {  	s26 =	sadd.s32 $0x400, s26;
	s28 =	sadd.s32 $0x10, s28;
	v2 =	vld [tilespmem:s11+$0x8040];
	v5 =	vmul.f32 $3.125000000e-02, v5;
	[tilespmem:s23+$0x8050] =	vst v7  }
0xe3: {  	v4 =	vmul.f32 $3.125000000e-02, v4;
	v7 =	vld [tilespmem:s11+$0x8050];
	[tilespmem:s23+$0x8060] =	vst v6  }
0xe4: {  	v6 =	vld [tilespmem:s11+$0x8060];
	v3 =	vmul.f32 $3.125000000e-02, v3;
	[tilespmem:s11+$0x8070] =	vst v5  }
0xe5: {  	[tilespmem:s11+$0x8000] =	vst v4;
	v0 =	vmul.f32 $3.125000000e-02, v0  }
0xe6: {  	[tilespmem:s11+$0x8010] =	vst v3;
	v1 =	vmul.f32 $3.125000000e-02, v1  }
0xe7: {  	[tilespmem:s11+$0x8020] =	vst v0;
	v0 =	vmul.f32 $3.125000000e-02, v2  }
0xe8: {  	s30 =	sadd.s32 s13, s24;
	[tilespmem:s11+$0x8030] =	vst v1;
	v1 =	vmul.f32 $3.125000000e-02, v7  }
0xe9: {  	s23 =	sshll.u32 s30, $0xA;
	[tilespmem:s11+$0x8040] =	vst v0;
	v0 =	vmul.f32 $3.125000000e-02, v6  }
0xea: {  	s23 =	sand.u32 $0x1FFFF000, s23;
	[tilespmem:s11+$0x8050] =	vst v1  }
0xeb: {  	s24 =	simm.s32 $0x8000;
	s23 =	sadd.s32 s3, s23;
	[tilespmem:s11+$0x8060] =	vst v0;
	s11 =	simm.s32 @!p0 $0xD  }
0xec: {  	[hbm4b:s23+s4] =	stream.linear.scatter [tilespmem:s24], [sflag:$0xD], $0x2000, $0x38;
	[tilespmem:$0x10000] =	vst v63  }
0xed: {  	s23 =	sadd.s32 @!p0 s5, s19;
	_ =	swait.ge @!p0 [sflag:s11], $0x2000  }
0xee: {  	s23 =	sshll.u32 @!p0 s23, $0xA;
	[sflag:s11] =	ssyncset.done @!p0 $0x0  }
0xef: {  	[sflag:s11] =	ssyncadd.s32 @!p0 $0xFFFFE000;
	s11 =	sand.u32 @!p0 $0x1FFFF000, s23  }
0xf0: {  	s24 =	simm.s32 @!p0 $0x8000;
	s23 =	simm.s32 @!p0 $0x0;
	s11 =	sadd.s32 @!p0 s2, s11  }
0xf1: {  	[tilespmem:s24], [sflag:$0x5] =	stream.linear.gather @!p0 [hbm4b:s11+s23], $0x2000, $0x38;
	[tilespmem:$0x10000] =	vst v63  }
0xf2: {  	s25 =	simm.s32 $0x0;
	_ =	swait.ge [sflag:s8], $0x2000  }
0xf3: {  	s26 =	sand.u32 $0x1C00, s25;
	s11 =	sand.u32 $0x380, s25;
	[sflag:s8] =	ssyncset.done $0x0  }
0xf4: {  	s23 =	sor.u32 s11, s26;
	[sflag:s8] =	ssyncadd.s32 $0xFFFFE000  }
0xf5: {  	v0 =	vld [tilespmem:s23+$0xA070]  }
0xf6: {  	v1 =	vld [tilespmem:s23+$0xA000]  }
0xf7: {  	v2 =	vld [tilespmem:s23+$0xA010]  }
0xf8: {  	v7 =	vld [tilespmem:s23+$0xA050]  }
0xf9: {  	v3 =	vld [tilespmem:s23+$0xA020]  }
0xfa: {  	s29 =	simm.s32 $0x400;
	s30 =	simm.s32 $0x10;
	v5 =	vld [tilespmem:s23+$0xA030];
	v0 =	vmul.f32 $3.125000000e-02, v0  }
0xfb: {  	s24 =	sand.u32 $0x380, s30;
	s11 =	sand.u32 $0x1C00, s29;
	v6 =	vld [tilespmem:s23+$0xA040];
	v1 =	vmul.f32 $3.125000000e-02, v1  }
0xfc: {  	s11 =	sor.u32 s24, s11;
	v8 =	vld [tilespmem:s23+$0xA060];
	v2 =	vmul.f32 $3.125000000e-02, v2;
	[tilespmem:s23+$0xA070] =	vst v0  }
0xfd: {  	v9 =	vld [tilespmem:s11+$0xA070];
	v7 =	vmul.f32 $3.125000000e-02, v7;
	[tilespmem:s23+$0xA000] =	vst v1  }
0xfe: {  	v4 =	vld [tilespmem:s11+$0xA000];
	v0 =	vmul.f32 $3.125000000e-02, v3;
	[tilespmem:s23+$0xA010] =	vst v2  }
0xff: {  	v1 =	vmul.f32 $3.125000000e-02, v5;
	v3 =	vld [tilespmem:s11+$0xA010];
	[tilespmem:s23+$0xA050] =	vst v7  }
0x100: {  	v2 =	vmul.f32 $3.125000000e-02, v6;
	[tilespmem:s23+$0xA020] =	vst v0;
	v0 =	vld [tilespmem:s11+$0xA020]  }
0x101: {  	s28 =	simm.s32 $0x20;
	v6 =	vmul.f32 $3.125000000e-02, v8;
	[tilespmem:s23+$0xA030] =	vst v1;
	v1 =	vld [tilespmem:s11+$0xA030]  }
0x102: {  	s25 =	simm.s32 $0x8;
	s26 =	simm.s32 $0x800;
	s24 =	sor.u32 $0x5, s5;
	v5 =	vmul.f32 $3.125000000e-02, v9;
	[tilespmem:s23+$0xA040] =	vst v2;
	v2 =	vld [tilespmem:s11+$0xA040]  }
.LBB2_13:
0x103: {  	s29 =	sand.u32 $0x1C00, s26;
	s30 =	sand.u32 $0x380, s28;
	s25 =	sadd.s32 $0x8, s25;
	v4 =	vmul.f32 $3.125000000e-02, v4;
	v7 =	vld [tilespmem:s11+$0xA050];
	[tilespmem:s23+$0xA060] =	vst v6  }
0x104: {  	s23 =	smov.u32 s11;
	p1 =	slt.u32 s25, $0x1F8;
	v3 =	vmul.f32 $3.125000000e-02, v3;
	v6 =	vld [tilespmem:s11+$0xA060];
	[tilespmem:s11+$0xA070] =	vst v5;
	s11 =	sor.u32 s30, s29  }
0x105: {  	v5 =	vld [tilespmem:s11+$0xA070];
	[tilespmem:s23+$0xA000] =	vst v4;
	v0 =	vmul.f32 $3.125000000e-02, v0  }
.Ltmp5:
0x106: {  	v4 =	vld [tilespmem:s11+$0xA000];
	[tilespmem:s23+$0xA010] =	vst v3;
	v1 =	vmul.f32 $3.125000000e-02, v1;
	(pc) =	sbr.rel @p1 .LBB2_13-.Ltmp5, $4  }
0x107: {  	v3 =	vld [tilespmem:s11+$0xA010];
	[tilespmem:s23+$0xA020] =	vst v0;
	v2 =	vmul.f32 $3.125000000e-02, v2  }
0x108: {  	v0 =	vld [tilespmem:s11+$0xA020];
	[tilespmem:s23+$0xA030] =	vst v1;
	v7 =	vmul.f32 $3.125000000e-02, v7  }
0x109: {  	v1 =	vld [tilespmem:s11+$0xA030];
	[tilespmem:s23+$0xA040] =	vst v2;
	v6 =	vmul.f32 $3.125000000e-02, v6  }
0x10a: {  	s26 =	sadd.s32 $0x400, s26;
	s28 =	sadd.s32 $0x10, s28;
	v2 =	vld [tilespmem:s11+$0xA040];
	v5 =	vmul.f32 $3.125000000e-02, v5;
	[tilespmem:s23+$0xA050] =	vst v7  }
0x10b: {  	v4 =	vmul.f32 $3.125000000e-02, v4;
	v7 =	vld [tilespmem:s11+$0xA050];
	[tilespmem:s23+$0xA060] =	vst v6  }
0x10c: {  	v6 =	vld [tilespmem:s11+$0xA060];
	v3 =	vmul.f32 $3.125000000e-02, v3;
	[tilespmem:s11+$0xA070] =	vst v5  }
0x10d: {  	[tilespmem:s11+$0xA000] =	vst v4;
	v0 =	vmul.f32 $3.125000000e-02, v0  }
0x10e: {  	[tilespmem:s11+$0xA010] =	vst v3;
	v1 =	vmul.f32 $3.125000000e-02, v1  }
0x10f: {  	[tilespmem:s11+$0xA020] =	vst v0;
	v0 =	vmul.f32 $3.125000000e-02, v2  }
0x110: {  	[tilespmem:s11+$0xA030] =	vst v1;
	v1 =	vmul.f32 $3.125000000e-02, v7  }
0x111: {  	s30 =	sadd.s32 s13, s24;
	[tilespmem:s11+$0xA040] =	vst v0;
	v0 =	vmul.f32 $3.125000000e-02, v6  }
0x112: {  	s23 =	sshll.u32 s30, $0xA;
	[tilespmem:s11+$0xA050] =	vst v1  }
0x113: {  	s24 =	simm.s32 $0xA000;
	s23 =	sadd.s32 s3, s23;
	[tilespmem:s11+$0xA060] =	vst v0;
	s11 =	simm.s32 @!p0 $0xE  }
0x114: {  	[hbm4b:s23+s4] =	stream.linear.scatter [tilespmem:s24], [sflag:$0xE], $0x2000, $0x38;
	[tilespmem:$0x10000] =	vst v63  }
0x115: {  	_ =	swait.ge @!p0 [sflag:s11], $0x2000  }
0x116: {  	s23 =	sadd.s32 @!p0 s5, s20;
	[sflag:s11] =	ssyncset.done @!p0 $0x0  }
0x117: {  	[sflag:s11] =	ssyncadd.s32 @!p0 $0xFFFFE000;
	s11 =	sshll.u32 @!p0 s23, $0xA  }
0x118: {  	s24 =	simm.s32 @!p0 $0xA000;
	s23 =	simm.s32 @!p0 $0x0;
	s11 =	sadd.s32 @!p0 s2, s11  }
0x119: {  	[tilespmem:s24], [sflag:$0x6] =	stream.linear.gather @!p0 [hbm4b:s11+s23], $0x2000, $0x38;
	[tilespmem:$0x10000] =	vst v63  }
0x11a: {  	s25 =	simm.s32 $0x0;
	_ =	swait.ge [sflag:s9], $0x2000  }
0x11b: {  	s26 =	sand.u32 $0x1C00, s25;
	s11 =	sand.u32 $0x380, s25;
	[sflag:s9] =	ssyncset.done $0x0  }
0x11c: {  	s23 =	sor.u32 s11, s26;
	[sflag:s9] =	ssyncadd.s32 $0xFFFFE000  }
0x11d: {  	v0 =	vld [tilespmem:s23+$0xC070]  }
0x11e: {  	v1 =	vld [tilespmem:s23+$0xC000]  }
0x11f: {  	v2 =	vld [tilespmem:s23+$0xC010]  }
0x120: {  	v7 =	vld [tilespmem:s23+$0xC050]  }
0x121: {  	v3 =	vld [tilespmem:s23+$0xC020]  }
0x122: {  	s29 =	simm.s32 $0x400;
	s30 =	simm.s32 $0x10;
	v5 =	vld [tilespmem:s23+$0xC030];
	v0 =	vmul.f32 $3.125000000e-02, v0  }
0x123: {  	s24 =	sand.u32 $0x380, s30;
	s11 =	sand.u32 $0x1C00, s29;
	v6 =	vld [tilespmem:s23+$0xC040];
	v1 =	vmul.f32 $3.125000000e-02, v1  }
0x124: {  	s11 =	sor.u32 s24, s11;
	v8 =	vld [tilespmem:s23+$0xC060];
	v2 =	vmul.f32 $3.125000000e-02, v2;
	[tilespmem:s23+$0xC070] =	vst v0  }
0x125: {  	v9 =	vld [tilespmem:s11+$0xC070];
	v7 =	vmul.f32 $3.125000000e-02, v7;
	[tilespmem:s23+$0xC000] =	vst v1  }
0x126: {  	v4 =	vld [tilespmem:s11+$0xC000];
	v0 =	vmul.f32 $3.125000000e-02, v3;
	[tilespmem:s23+$0xC010] =	vst v2  }
0x127: {  	v1 =	vmul.f32 $3.125000000e-02, v5;
	v3 =	vld [tilespmem:s11+$0xC010];
	[tilespmem:s23+$0xC050] =	vst v7  }
0x128: {  	v2 =	vmul.f32 $3.125000000e-02, v6;
	[tilespmem:s23+$0xC020] =	vst v0;
	v0 =	vld [tilespmem:s11+$0xC020]  }
0x129: {  	s28 =	simm.s32 $0x20;
	v6 =	vmul.f32 $3.125000000e-02, v8;
	[tilespmem:s23+$0xC030] =	vst v1;
	v1 =	vld [tilespmem:s11+$0xC030]  }
0x12a: {  	s25 =	simm.s32 $0x8;
	s26 =	simm.s32 $0x800;
	s24 =	sor.u32 $0x6, s5;
	v5 =	vmul.f32 $3.125000000e-02, v9;
	[tilespmem:s23+$0xC040] =	vst v2;
	v2 =	vld [tilespmem:s11+$0xC040]  }
.LBB2_15:
0x12b: {  	s29 =	sand.u32 $0x1C00, s26;
	s30 =	sand.u32 $0x380, s28;
	s25 =	sadd.s32 $0x8, s25;
	v4 =	vmul.f32 $3.125000000e-02, v4;
	v7 =	vld [tilespmem:s11+$0xC050];
	[tilespmem:s23+$0xC060] =	vst v6  }
0x12c: {  	s23 =	smov.u32 s11;
	p1 =	slt.u32 s25, $0x1F8;
	v3 =	vmul.f32 $3.125000000e-02, v3;
	v6 =	vld [tilespmem:s11+$0xC060];
	[tilespmem:s11+$0xC070] =	vst v5;
	s11 =	sor.u32 s30, s29  }
0x12d: {  	v5 =	vld [tilespmem:s11+$0xC070];
	[tilespmem:s23+$0xC000] =	vst v4;
	v0 =	vmul.f32 $3.125000000e-02, v0  }
.Ltmp6:
0x12e: {  	v4 =	vld [tilespmem:s11+$0xC000];
	[tilespmem:s23+$0xC010] =	vst v3;
	v1 =	vmul.f32 $3.125000000e-02, v1;
	(pc) =	sbr.rel @p1 .LBB2_15-.Ltmp6, $4  }
0x12f: {  	v3 =	vld [tilespmem:s11+$0xC010];
	[tilespmem:s23+$0xC020] =	vst v0;
	v2 =	vmul.f32 $3.125000000e-02, v2  }
0x130: {  	v0 =	vld [tilespmem:s11+$0xC020];
	[tilespmem:s23+$0xC030] =	vst v1;
	v7 =	vmul.f32 $3.125000000e-02, v7  }
0x131: {  	v1 =	vld [tilespmem:s11+$0xC030];
	[tilespmem:s23+$0xC040] =	vst v2;
	v6 =	vmul.f32 $3.125000000e-02, v6  }
0x132: {  	s26 =	sadd.s32 $0x400, s26;
	s28 =	sadd.s32 $0x10, s28;
	v2 =	vld [tilespmem:s11+$0xC040];
	v5 =	vmul.f32 $3.125000000e-02, v5;
	[tilespmem:s23+$0xC050] =	vst v7  }
0x133: {  	v4 =	vmul.f32 $3.125000000e-02, v4;
	v7 =	vld [tilespmem:s11+$0xC050];
	[tilespmem:s23+$0xC060] =	vst v6  }
0x134: {  	v6 =	vld [tilespmem:s11+$0xC060];
	v3 =	vmul.f32 $3.125000000e-02, v3;
	[tilespmem:s11+$0xC070] =	vst v5  }
0x135: {  	[tilespmem:s11+$0xC000] =	vst v4;
	v0 =	vmul.f32 $3.125000000e-02, v0  }
0x136: {  	[tilespmem:s11+$0xC010] =	vst v3;
	v1 =	vmul.f32 $3.125000000e-02, v1  }
0x137: {  	[tilespmem:s11+$0xC020] =	vst v0;
	v0 =	vmul.f32 $3.125000000e-02, v2  }
0x138: {  	s30 =	sadd.s32 s13, s24;
	[tilespmem:s11+$0xC030] =	vst v1;
	v1 =	vmul.f32 $3.125000000e-02, v7  }
0x139: {  	s23 =	sshll.u32 s30, $0xA;
	[tilespmem:s11+$0xC040] =	vst v0;
	v0 =	vmul.f32 $3.125000000e-02, v6  }
0x13a: {  	s25 =	simm.s32 $0xC000;
	s5 =	sadd.s32 @!p0 s5, s21;
	s23 =	sand.u32 $0x1FFFF800, s23;
	[tilespmem:s11+$0xC050] =	vst v1  }
0x13b: {  	s5 =	sshll.u32 @!p0 s5, $0xA;
	s24 =	sadd.s32 s3, s23;
	[tilespmem:s11+$0xC060] =	vst v0;
	s11 =	simm.s32 @!p0 $0xF  }
0x13c: {  	[hbm4b:s24+s4] =	stream.linear.scatter [tilespmem:s25], [sflag:$0xF], $0x2000, $0x38;
	[tilespmem:$0x10000] =	vst v63  }
0x13d: {  	s5 =	sand.u32 @!p0 $0x1FFFF800, s5;
	_ =	swait.ge @!p0 [sflag:s11], $0x2000  }
0x13e: {  	s5 =	sadd.s32 @!p0 s2, s5;
	[sflag:s11] =	ssyncset.done @!p0 $0x0  }
0x13f: {  	s23 =	simm.s32 @!p0 $0xC000;
	[sflag:s11] =	ssyncadd.s32 @!p0 $0xFFFFE000;
	s11 =	simm.s32 @!p0 $0x0  }
0x140: {  	[tilespmem:s23], [sflag:$0x7] =	stream.linear.gather @!p0 [hbm4b:s5+s11], $0x2000, $0x38;
	[tilespmem:$0x10000] =	vst v63  }
0x141: {  	s26 =	simm.s32 $0x0;
	_ =	swait.ge [sflag:s10], $0x2000  }
0x142: {  	s28 =	sand.u32 $0x1C00, s26;
	s5 =	sand.u32 $0x380, s26;
	[sflag:s10] =	ssyncset.done $0x0  }
0x143: {  	s11 =	sor.u32 s5, s28;
	[sflag:s10] =	ssyncadd.s32 $0xFFFFE000  }
0x144: {  	v0 =	vld [tilespmem:s11+$0xE070]  }
0x145: {  	v1 =	vld [tilespmem:s11+$0xE000]  }
0x146: {  	v2 =	vld [tilespmem:s11+$0xE010]  }
0x147: {  	v7 =	vld [tilespmem:s11+$0xE050]  }
0x148: {  	v3 =	vld [tilespmem:s11+$0xE020]  }
0x149: {  	s29 =	simm.s32 $0x400;
	s30 =	simm.s32 $0x10;
	v5 =	vld [tilespmem:s11+$0xE030];
	v0 =	vmul.f32 $3.125000000e-02, v0  }
0x14a: {  	s23 =	sand.u32 $0x380, s30;
	s5 =	sand.u32 $0x1C00, s29;
	v6 =	vld [tilespmem:s11+$0xE040];
	v1 =	vmul.f32 $3.125000000e-02, v1  }
0x14b: {  	s5 =	sor.u32 s23, s5;
	v8 =	vld [tilespmem:s11+$0xE060];
	v2 =	vmul.f32 $3.125000000e-02, v2;
	[tilespmem:s11+$0xE070] =	vst v0  }
0x14c: {  	v9 =	vld [tilespmem:s5+$0xE070];
	v7 =	vmul.f32 $3.125000000e-02, v7;
	[tilespmem:s11+$0xE000] =	vst v1  }
0x14d: {  	v4 =	vld [tilespmem:s5+$0xE000];
	v0 =	vmul.f32 $3.125000000e-02, v3;
	[tilespmem:s11+$0xE010] =	vst v2  }
0x14e: {  	v1 =	vmul.f32 $3.125000000e-02, v5;
	v3 =	vld [tilespmem:s5+$0xE010];
	[tilespmem:s11+$0xE050] =	vst v7  }
0x14f: {  	v2 =	vmul.f32 $3.125000000e-02, v6;
	[tilespmem:s11+$0xE020] =	vst v0;
	v0 =	vld [tilespmem:s5+$0xE020]  }
0x150: {  	v6 =	vmul.f32 $3.125000000e-02, v8;
	[tilespmem:s11+$0xE030] =	vst v1;
	v1 =	vld [tilespmem:s5+$0xE030]  }
0x151: {  	s24 =	simm.s32 $0x800;
	s25 =	simm.s32 $0x20;
	s23 =	simm.s32 $0x8;
	v5 =	vmul.f32 $3.125000000e-02, v9;
	[tilespmem:s11+$0xE040] =	vst v2;
	v2 =	vld [tilespmem:s5+$0xE040]  }
.LBB2_17:
0x152: {  	s26 =	sand.u32 $0x1C00, s24;
	s28 =	sand.u32 $0x380, s25;
	s23 =	sadd.s32 $0x8, s23;
	v4 =	vmul.f32 $3.125000000e-02, v4;
	v7 =	vld [tilespmem:s5+$0xE050];
	[tilespmem:s11+$0xE060] =	vst v6  }
0x153: {  	s11 =	smov.u32 s5;
	p0 =	slt.u32 s23, $0x1F8;
	v3 =	vmul.f32 $3.125000000e-02, v3;
	v6 =	vld [tilespmem:s5+$0xE060];
	[tilespmem:s5+$0xE070] =	vst v5;
	s5 =	sor.u32 s28, s26  }
0x154: {  	v5 =	vld [tilespmem:s5+$0xE070];
	[tilespmem:s11+$0xE000] =	vst v4;
	v0 =	vmul.f32 $3.125000000e-02, v0  }
.Ltmp7:
0x155: {  	v4 =	vld [tilespmem:s5+$0xE000];
	[tilespmem:s11+$0xE010] =	vst v3;
	v1 =	vmul.f32 $3.125000000e-02, v1;
	(pc) =	sbr.rel @p0 .LBB2_17-.Ltmp7, $4  }
0x156: {  	v3 =	vld [tilespmem:s5+$0xE010];
	[tilespmem:s11+$0xE020] =	vst v0;
	v2 =	vmul.f32 $3.125000000e-02, v2  }
0x157: {  	v0 =	vld [tilespmem:s5+$0xE020];
	[tilespmem:s11+$0xE030] =	vst v1;
	v7 =	vmul.f32 $3.125000000e-02, v7  }
0x158: {  	v1 =	vld [tilespmem:s5+$0xE030];
	[tilespmem:s11+$0xE040] =	vst v2;
	v6 =	vmul.f32 $3.125000000e-02, v6  }
0x159: {  	s24 =	sadd.s32 $0x400, s24;
	s25 =	sadd.s32 $0x10, s25;
	v2 =	vld [tilespmem:s5+$0xE040];
	v5 =	vmul.f32 $3.125000000e-02, v5;
	[tilespmem:s11+$0xE050] =	vst v7  }
0x15a: {  	v4 =	vmul.f32 $3.125000000e-02, v4;
	v7 =	vld [tilespmem:s5+$0xE050];
	[tilespmem:s11+$0xE060] =	vst v6  }
0x15b: {  	v60 =	vld [tilespmem:s5+$0xE060];
	v3 =	vmul.f32 $3.125000000e-02, v3;
	[tilespmem:s5+$0xE070] =	vst v5  }
0x15c: {  	[tilespmem:s5+$0xE000] =	vst v4;
	v0 =	vmul.f32 $3.125000000e-02, v0  }
0x15d: {  	s12 =	sadd.s32 $0x1, s12;
	[tilespmem:s5+$0xE010] =	vst v3;
	v1 =	vmul.f32 $3.125000000e-02, v1  }
0x15e: {  	p0 =	sne.s32 s12, $0x4;
	[tilespmem:s5+$0xE020] =	vst v0;
	v61 =	vmul.f32 $3.125000000e-02, v2  }
.Ltmp8:
0x15f: {  	[tilespmem:s5+$0xE030] =	vst v1;
	v62 =	vmul.f32 $3.125000000e-02, v7;
	(pc) =	sbr.rel @p0 .LBB2_2-.Ltmp8, $4  }
0x160: {  	s28 =	sadd.s32 s13, s22;
	v63 =	vmul.f32 $3.125000000e-02, v60;
	[tilespmem:s5+$0xE040] =	vst v61  }
0x161: {  	s11 =	sshll.u32 s28, $0xA;
	[tilespmem:s5+$0xE050] =	vst v62  }
0x162: {  	s30 =	simm.s32 $0xE000;
	s29 =	sadd.s32 s3, s11;
	[tilespmem:s5+$0xE060] =	vst v63  }
0x163: {  	[hbm4b:s29+s4] =	stream.linear.scatter [tilespmem:s30], [sflag:$0x10], $0x2000, $0x38;
	[tilespmem:$0x10000] =	vst v63  }
0x164: {  	s5 =	simm.s32 $0x9  }
0x165: {  	_ =	swait.ge [sflag:s5], $0x2000  }
0x166: {  	[sflag:s5] =	ssyncset.done $0x0  }
0x167: {  	s23 =	simm.s32 $0xA;
	[sflag:s5] =	ssyncadd.s32 $0xFFFFE000  }
0x168: {  	_ =	swait.ge [sflag:s23], $0x2000  }
0x169: {  	[sflag:s23] =	ssyncset.done $0x0  }
0x16a: {  	s24 =	simm.s32 $0xB;
	[sflag:s23] =	ssyncadd.s32 $0xFFFFE000  }
0x16b: {  	_ =	swait.ge [sflag:s24], $0x2000  }
0x16c: {  	[sflag:s24] =	ssyncset.done $0x0  }
0x16d: {  	s25 =	simm.s32 $0xC;
	[sflag:s24] =	ssyncadd.s32 $0xFFFFE000  }
0x16e: {  	_ =	swait.ge [sflag:s25], $0x2000  }
0x16f: {  	[sflag:s25] =	ssyncset.done $0x0  }
0x170: {  	s26 =	simm.s32 $0xD;
	[sflag:s25] =	ssyncadd.s32 $0xFFFFE000  }
0x171: {  	_ =	swait.ge [sflag:s26], $0x2000  }
0x172: {  	[sflag:s26] =	ssyncset.done $0x0  }
0x173: {  	s28 =	simm.s32 $0xE;
	[sflag:s26] =	ssyncadd.s32 $0xFFFFE000  }
0x174: {  	_ =	swait.ge [sflag:s28], $0x2000  }
0x175: {  	[sflag:s28] =	ssyncset.done $0x0  }
0x176: {  	s29 =	simm.s32 $0xF;
	[sflag:s28] =	ssyncadd.s32 $0xFFFFE000  }
0x177: {  	_ =	swait.ge [sflag:s29], $0x2000  }
0x178: {  	[sflag:s29] =	ssyncset.done $0x0  }
0x179: {  	s11 =	simm.s32 $0x10;
	[sflag:s29] =	ssyncadd.s32 $0xFFFFE000  }
0x17a: {  	_ =	swait.ge [sflag:s11], $0x2000  }
0x17b: {  	s12 =	rddreg [dreg:$0xc]  }
0x17c: {  	s30 =	rddreg [dreg:$0xb];
	s12 =	sadd.s32 $0x1, s12  }
0x17d: {  	p0 =	sne.s32 s12, s30  }
.Ltmp9:
0x17e: {  	_ = 	snop;
	(pc) =	sbr.rel @p0 .LBB2_1-.Ltmp9, $3  }
0x17f: {  	_ =	sdelay $0x1  }
0x180: {  	[sflag:s11] =	ssyncset.done $0x0  }
0x181: {  	[sflag:s11] =	ssyncadd.s32 $0xFFFFE000  }
0x182: {  	_ =	sfence.sel $0x180000  }
0x183: {  	[bflag:$0x0] =	sbarrier.arrive $0xFFFF  }
0x184: {  	_ =	strace $0x90000047  }
0x185: {  	s0 =	stileid.u32;
	[bflag:$0x2] =	sbarrier.arrive $0xFFFF  }
0x186: {  	p0 =	sne.s32 s0, $0x0;
	s0 =	rddreg [dreg:$0x2]  }
0x187: {  	s0 =	sadd.s32 @!p0 $0x100000, s0  }
0x188: {  	[sflag:s0] =	ssyncadd.tile.s32 @!p0 $0x1;
	_ =	shalt  }
.Lfunc_end2:
_tile_overlayer_lowered:
.L_overlay_start_2:
0x189: {  	(tag) =	ssettag $0x2  }
0x18a: {  	s0 =	rddreg [dreg:$0x0];
	s2 =	stileid.u32  }
0x18b: {  	s1 =	rddreg [dreg:$0x1];
	p0 =	sne.s32 s2, $0x0  }
0x18c: {  	s3 =	rddreg [dreg:$0x2];
	[bflag:$0x3] =	sbarrier.arrive $0xFFFF;
	s2 =	simm.s32 @!p0 $0x1C11  }
0x18d: {  	[timem:s3], [sflag:s2] =	dma.local @!p0 [hbm:s0], s1  }
0x18e: {  	s0 =	simm.s32 @!p0 $0x11  }
0x18f: {  	_ =	swait.ge @!p0 [sflag:s0], s1  }
0x190: {  	s1 =	ssub.s32 @!p0 $0x0, s1;
	[sflag:s0] =	ssyncset.done @!p0 $0x0  }
0x191: {  	[sflag:s0] =	ssyncadd.s32 @!p0 s1  }
0x192: {  	[bflag:$0x3] =	sbarrier.arrive $0xFFFF  }
0x193: {  	_ =	shalt  }

</sc_bundles>
